<compile_context>
chip_gen: v7x
topology: tpu7x:2x2x1
jax: 0.10.2.dev20260603
libtpu: 0.0.44.dev20260713+nightly
codegen_flags: <defaults>
</compile_context>

<pallas_src>
import functools

import jax
import jax.numpy as jnp
from jax import lax
from jax.experimental import pallas as pl
from jax.experimental.pallas import tpu as pltpu
from jax.experimental.pallas import tpu_sc as plsc

E = 16
N = 16384 * 2
NSUB = 16
CH = N // NSUB
SEG = CH // 16
NV = NSUB * 16
ROWS = CH // 128

_mesh = plsc.VectorSubcoreMesh(core_axis_name="c", subcore_axis_name="s")
_params = pltpu.CompilerParams(needs_layout_passes=False)


@functools.partial(
    pl.kernel,
    mesh=_mesh,
    compiler_params=_params,
    out_type=(
        jax.ShapeDtypeStruct((N,), jnp.float32),
        jax.ShapeDtypeStruct((N,), jnp.int32),
        jax.ShapeDtypeStruct((E,), jnp.float32),
    ),
    scratch_types=[
        pltpu.VMEM((CH // 128, 128), jnp.int32),
        pltpu.VMEM((CH // 128, 128), jnp.float32),
        pltpu.VMEM((16, E), jnp.int32),
        pltpu.VMEM((E,), jnp.int32),
        pltpu.VMEM((NSUB, E), jnp.int32),
        pltpu.VMEM((16, E), jnp.int32),
        pltpu.VMEM((16, E), jnp.int32),
        pltpu.VMEM((ROWS, 128), jnp.int32),
        pltpu.VMEM((ROWS, 128), jnp.int32),
        pltpu.VMEM((ROWS, 128), jnp.float32),
        pltpu.VMEM((E,), jnp.float32),
        pltpu.VMEM((CH,), jnp.int32),
        pltpu.VMEM((CH,), jnp.float32),
        pltpu.VMEM_SHARED((NSUB, E), jnp.int32),
        pltpu.VMEM_SHARED((N,), jnp.int32),
        pltpu.VMEM_SHARED((N,), jnp.float32),
        pltpu.SemaphoreType.DMA,
    ],
)
def _reorder_kernel(eids_hbm, scores_hbm, sc_out, idx_out, cnt_out,
                    ev, sv, h2d, bsv, blkv, g2d, d2d, loc_idx, loc_dst, loc_sc,
                    cnt_v, bi, bs, sh_blk, sh_idx, sh_sc, sem):
    c = lax.axis_index("c")
    s = lax.axis_index("s")
    base_elem = s * CH
    base_row = s * (CH // 128)
    pltpu.sync_copy(eids_hbm.at[pl.ds(base_row, CH // 128), :], ev)
    pltpu.sync_copy(scores_hbm.at[pl.ds(base_row, CH // 128), :], sv)

    iota = lax.iota(jnp.int32, 16)
    zeros = jnp.zeros((16,), jnp.int32)
    ones = jnp.ones((16,), jnp.int32)
    for r in range(16):
        h2d[r, :] = zeros
    seg = iota * SEG

    def hbody(t, cc):
        for u in range(2):
            idxs = seg + (t * 2 + u)
            v = plsc.load_gather(ev, [idxs >> 7, idxs & 127])
            plsc.addupdate_scatter(h2d, [iota, v], ones)
        return cc

    lax.fori_loop(0, SEG // 2, hbody, 0)
    bsum = jnp.zeros((16,), jnp.int32)
    for r in range(16):
        bsum = bsum + h2d[r, :]
    bsv[...] = bsum
    pltpu.sync_copy(bsv, sh_blk.at[s])
    plsc.subcore_barrier()

    pltpu.sync_copy(sh_blk, blkv)
    col = jnp.zeros((16,), jnp.int32)
    pre = jnp.zeros((16,), jnp.int32)
    for r in range(NSUB):
        row = blkv[r, :]
        col = col + row
        pre = pre + jnp.where(r < s, row, 0)
    base_e = plsc.cumsum(col) - col
    rg = base_e + pre
    rl = plsc.cumsum(bsum) - bsum
    for lane in range(16):
        g2d[lane, :] = rg
        d2d[lane, :] = rg - rl
        hrow = h2d[lane, :]
        rg = rg + hrow
        rl = rl + hrow

    @pl.when((c == 0) & (s == 0))
    def _():
        cnt_v[...] = col.astype(jnp.float32)
        pltpu.sync_copy(cnt_v, cnt_out)

    def body(t, cc):
        for u in range(2):
            idxs = seg + (t * 2 + u)
            v = plsc.load_gather(ev, [idxs >> 7, idxs & 127])
            gdst = plsc.load_gather(g2d, [iota, v])
            dl = plsc.load_gather(d2d, [iota, v])
            ldst = gdst - dl
            sc = plsc.load_gather(sv, [idxs >> 7, idxs & 127])
            i0 = ldst >> 7
            i1 = ldst & 127
            plsc.store_scatter(loc_idx, [i0, i1], base_elem + idxs)
            plsc.store_scatter(loc_dst, [i0, i1], gdst)
            plsc.store_scatter(loc_sc, [i0, i1], sc)
            plsc.addupdate_scatter(g2d, [iota, v], ones)
        return cc

    lax.fori_loop(0, SEG // 2, body, 0)

    scats = []
    for j in range(ROWS):
        scats.append(pltpu.async_copy(loc_idx.at[j], sh_idx.at[loc_dst.at[j]], sem))
        scats.append(pltpu.async_copy(loc_sc.at[j], sh_sc.at[loc_dst.at[j]], sem))
    for cp in scats:
        cp.wait()
    plsc.subcore_barrier()

    @pl.when(c == 0)
    def _():
        pltpu.sync_copy(sh_idx.at[pl.ds(base_elem, CH)], bi)
        pltpu.sync_copy(bi, idx_out.at[pl.ds(base_elem, CH)])

    @pl.when(c == 1)
    def _():
        pltpu.sync_copy(sh_sc.at[pl.ds(base_elem, CH)], bs)
        pltpu.sync_copy(bs, sc_out.at[pl.ds(base_elem, CH)])


@jax.jit
def _token_reorder(top_scores, selected_experts_indices):
    eids = selected_experts_indices.reshape(N // 128, 128)
    scores = top_scores.reshape(N // 128, 128)
    return _reorder_kernel(eids, scores)


def kernel(top_scores, selected_experts_indices):
    return _token_reorder(top_scores, selected_experts_indices)

# --- scband reference (transcript-rebuilt; emitter-appended) ---
"""Pipeline reference for scband-token-reorderer-30537217475282 (READ-ONLY COPY).

The authoritative reference and input builder live on the scoring server;
editing this copy changes nothing except your own understanding.
"""

import jax, jax.numpy as jnp
import numpy as np

NUM_EXPERTS = 16
TOP_K = 2
NUM_TOKENS = 16384


def setup_inputs(seed: int = 0) -> dict:
    key = jax.random.key(seed)
    k1, k2 = jax.random.split(key)
    top_scores = jax.random.uniform(k1, (NUM_TOKENS, TOP_K), dtype=jnp.float32)
    selected_experts_indices = jax.random.randint(
        k2, (NUM_TOKENS, TOP_K), 0, NUM_EXPERTS, dtype=jnp.int32
    )
    return {
        "top_scores": top_scores,
        "selected_experts_indices": selected_experts_indices,
    }


def reference(top_scores, selected_experts_indices):
    flat_experts = selected_experts_indices.reshape(-1)
    # torch.histc(v, bins=E, min=0, max=E) over integer expert ids == bincount
    num_tokens_per_expert = jnp.bincount(flat_experts, length=NUM_EXPERTS).astype(jnp.float32)
    # stable argsort, matching torch.argsort(..., stable=True)
    token_indices_experts_sorted = jnp.argsort(flat_experts, stable=True)
    top_scores_experts_sorted = top_scores.reshape(-1)[token_indices_experts_sorted]
    return (
        top_scores_experts_sorted,
        token_indices_experts_sorted,
        num_tokens_per_expert,
    )

if __name__ == "__main__":
    import jax
    _d = setup_inputs()
    print(jax.jit(kernel)(*tuple(_d.values())))

</pallas_src>

<mosaic_0001>
#map = affine_map<(d0, d1) -> (0, 0)>
#map1 = affine_map<(d0, d1) -> (0)>
module attributes {stable_mosaic.version = 14 : i64} {
  func.func @_reorder_kernel(%arg0: i32, %arg1: i32, %arg2: memref<256x128xi32, #tpu.memory_space<hbm>>, %arg3: memref<256x128xf32, #tpu.memory_space<hbm>>, %arg4: memref<32768xf32, #tpu.memory_space<hbm>>, %arg5: memref<32768xi32, #tpu.memory_space<hbm>>, %arg6: memref<16xf32, #tpu.memory_space<hbm>>, %arg7: memref<16x128xi32, #tpu.memory_space<vmem>>, %arg8: memref<16x128xf32, #tpu.memory_space<vmem>>, %arg9: memref<16x16xi32, #tpu.memory_space<vmem>>, %arg10: memref<16xi32, #tpu.memory_space<vmem>>, %arg11: memref<16x16xi32, #tpu.memory_space<vmem>>, %arg12: memref<16x16xi32, #tpu.memory_space<vmem>>, %arg13: memref<16x16xi32, #tpu.memory_space<vmem>>, %arg14: memref<16x128xi32, #tpu.memory_space<vmem>>, %arg15: memref<16x128xi32, #tpu.memory_space<vmem>>, %arg16: memref<16x128xf32, #tpu.memory_space<vmem>>, %arg17: memref<16xf32, #tpu.memory_space<vmem>>, %arg18: memref<2048xi32, #tpu.memory_space<vmem>>, %arg19: memref<2048xf32, #tpu.memory_space<vmem>>, %arg20: memref<16x16xi32, #tpu.memory_space<vmem_shared>>, %arg21: memref<32768xi32, #tpu.memory_space<vmem_shared>>, %arg22: memref<32768xf32, #tpu.memory_space<vmem_shared>>, %arg23: memref<!tpu.dma_semaphore, #tpu.memory_space<semaphore_mem>>) attributes {dimension_semantics = [#tpu.dimension_semantics<core_parallel>, #tpu.dimension_semantics<subcore_parallel>], iteration_bounds = array<i64: 2, 16>, scalar_prefetch = 0 : i64, scratch_operands = 17 : i64, tpu.core_type = #tpu.core_type<sc_vector_subcore>, window_params = [{transform_indices = #map}, {transform_indices = #map}, {transform_indices = #map1}, {transform_indices = #map1}, {transform_indices = #map1}]} {
    %mul3A = arith.constant 2048 : i32
    %mul3A_0 = arith.muli %arg1, %mul3A : i32
    %mul3A_1 = arith.constant 16 : i32
    %mul3A_2 = arith.muli %arg1, %mul3A_1 : i32
    "tpu.region"() ({
      %run_scoped3A = tpu.sem_alloc : memref<!tpu.dma_semaphore, #tpu.memory_space<semaphore_mem>>
      %dma_start3A_1242 = arith.constant 0 : i32
      %dma_start3A_1243 = tpu.memref_slice %arg2[%mul3A_2, %dma_start3A_1242] : memref<256x128xi32, #tpu.memory_space<hbm>> -> memref<16x128xi32, #tpu.memory_space<hbm>>
      %dma_start3A_1244 = arith.constant 0 : i32
      %dma_start3A_1245 = tpu.memref_slice %arg2[%mul3A_2, %dma_start3A_1244] : memref<256x128xi32, #tpu.memory_space<hbm>> -> memref<16x128xi32, #tpu.memory_space<hbm>>
      tpu.enqueue_dma source(%dma_start3A_1245 : memref<16x128xi32, #tpu.memory_space<hbm>>) target(%arg7 : memref<16x128xi32, #tpu.memory_space<vmem>>) target_semaphore(%run_scoped3A : memref<!tpu.dma_semaphore, #tpu.memory_space<semaphore_mem>>)
      %dma_wait3A_1246 = arith.constant 0 : i32
      %dma_wait3A_1247 = tpu.memref_slice %arg2[%mul3A_2, %dma_wait3A_1246] : memref<256x128xi32, #tpu.memory_space<hbm>> -> memref<16x128xi32, #tpu.memory_space<hbm>>
      %dma_wait3A_1248 = arith.constant 0 : i32
      %dma_wait3A_1249 = tpu.memref_slice %arg2[%mul3A_2, %dma_wait3A_1248] : memref<256x128xi32, #tpu.memory_space<hbm>> -> memref<16x128xi32, #tpu.memory_space<hbm>>
      tpu.wait_dma2 semaphore(%run_scoped3A : memref<!tpu.dma_semaphore, #tpu.memory_space<semaphore_mem>>) src(%dma_wait3A_1249 : memref<16x128xi32, #tpu.memory_space<hbm>>) dst(%arg7 : memref<16x128xi32, #tpu.memory_space<vmem>>)
      tpu.yield
    }) : () -> ()
    "tpu.region"() ({
      %run_scoped3A = tpu.sem_alloc : memref<!tpu.dma_semaphore, #tpu.memory_space<semaphore_mem>>
      %dma_start3A_1242 = arith.constant 0 : i32
      %dma_start3A_1243 = tpu.memref_slice %arg3[%mul3A_2, %dma_start3A_1242] : memref<256x128xf32, #tpu.memory_space<hbm>> -> memref<16x128xf32, #tpu.memory_space<hbm>>
      %dma_start3A_1244 = arith.constant 0 : i32
      %dma_start3A_1245 = tpu.memref_slice %arg3[%mul3A_2, %dma_start3A_1244] : memref<256x128xf32, #tpu.memory_space<hbm>> -> memref<16x128xf32, #tpu.memory_space<hbm>>
      tpu.enqueue_dma source(%dma_start3A_1245 : memref<16x128xf32, #tpu.memory_space<hbm>>) target(%arg8 : memref<16x128xf32, #tpu.memory_space<vmem>>) target_semaphore(%run_scoped3A : memref<!tpu.dma_semaphore, #tpu.memory_space<semaphore_mem>>)
      %dma_wait3A_1246 = arith.constant 0 : i32
      %dma_wait3A_1247 = tpu.memref_slice %arg3[%mul3A_2, %dma_wait3A_1246] : memref<256x128xf32, #tpu.memory_space<hbm>> -> memref<16x128xf32, #tpu.memory_space<hbm>>
      %dma_wait3A_1248 = arith.constant 0 : i32
      %dma_wait3A_1249 = tpu.memref_slice %arg3[%mul3A_2, %dma_wait3A_1248] : memref<256x128xf32, #tpu.memory_space<hbm>> -> memref<16x128xf32, #tpu.memory_space<hbm>>
      tpu.wait_dma2 semaphore(%run_scoped3A : memref<!tpu.dma_semaphore, #tpu.memory_space<semaphore_mem>>) src(%dma_wait3A_1249 : memref<16x128xf32, #tpu.memory_space<hbm>>) dst(%arg8 : memref<16x128xf32, #tpu.memory_space<vmem>>)
      tpu.yield
    }) : () -> ()
    %iota3A = tpu.iota {dimensions = array<i32: 0>} : vector<16xi32>
    %broadcast_in_dim3A = arith.constant 0 : i32
    %broadcast_in_dim3A_3 = vector.broadcast %broadcast_in_dim3A : i32 to vector<16xi32>
    %broadcast_in_dim3A_4 = arith.constant 1 : i32
    %broadcast_in_dim3A_5 = vector.broadcast %broadcast_in_dim3A_4 : i32 to vector<16xi32>
    %swap3A = arith.constant 0 : i32
    %swap3A_6 = arith.index_cast %swap3A : i32 to index
    %swap3A_7 = arith.constant 0 : index
    %swap3A_8 = tpu.vector_load %arg9[%swap3A_6, %swap3A_7] {strides = array<i32>} : memref<16x16xi32, #tpu.memory_space<vmem>>, vector<16xi32>,
    tpu.vector_store %arg9[%swap3A_6, %swap3A_7], %broadcast_in_dim3A_3 {strides = array<i32>} : memref<16x16xi32, #tpu.memory_space<vmem>>, vector<16xi32>,
    %swap3A_9 = arith.constant 1 : i32
    %swap3A_10 = arith.index_cast %swap3A_9 : i32 to index
    %swap3A_11 = arith.constant 0 : index
    %swap3A_12 = tpu.vector_load %arg9[%swap3A_10, %swap3A_11] {strides = array<i32>} : memref<16x16xi32, #tpu.memory_space<vmem>>, vector<16xi32>,
    tpu.vector_store %arg9[%swap3A_10, %swap3A_11], %broadcast_in_dim3A_3 {strides = array<i32>} : memref<16x16xi32, #tpu.memory_space<vmem>>, vector<16xi32>,
    %swap3A_13 = arith.constant 2 : i32
    %swap3A_14 = arith.index_cast %swap3A_13 : i32 to index
    %swap3A_15 = arith.constant 0 : index
    %swap3A_16 = tpu.vector_load %arg9[%swap3A_14, %swap3A_15] {strides = array<i32>} : memref<16x16xi32, #tpu.memory_space<vmem>>, vector<16xi32>,
    tpu.vector_store %arg9[%swap3A_14, %swap3A_15], %broadcast_in_dim3A_3 {strides = array<i32>} : memref<16x16xi32, #tpu.memory_space<vmem>>, vector<16xi32>,
    %swap3A_17 = arith.constant 3 : i32
    %swap3A_18 = arith.index_cast %swap3A_17 : i32 to index
    %swap3A_19 = arith.constant 0 : index
    %swap3A_20 = tpu.vector_load %arg9[%swap3A_18, %swap3A_19] {strides = array<i32>} : memref<16x16xi32, #tpu.memory_space<vmem>>, vector<16xi32>,
    tpu.vector_store %arg9[%swap3A_18, %swap3A_19], %broadcast_in_dim3A_3 {strides = array<i32>} : memref<16x16xi32, #tpu.memory_space<vmem>>, vector<16xi32>,
    %swap3A_21 = arith.constant 4 : i32
    %swap3A_22 = arith.index_cast %swap3A_21 : i32 to index
    %swap3A_23 = arith.constant 0 : index
    %swap3A_24 = tpu.vector_load %arg9[%swap3A_22, %swap3A_23] {strides = array<i32>} : memref<16x16xi32, #tpu.memory_space<vmem>>, vector<16xi32>,
    tpu.vector_store %arg9[%swap3A_22, %swap3A_23], %broadcast_in_dim3A_3 {strides = array<i32>} : memref<16x16xi32, #tpu.memory_space<vmem>>, vector<16xi32>,
    %swap3A_25 = arith.constant 5 : i32
    %swap3A_26 = arith.index_cast %swap3A_25 : i32 to index
    %swap3A_27 = arith.constant 0 : index
    %swap3A_28 = tpu.vector_load %arg9[%swap3A_26, %swap3A_27] {strides = array<i32>} : memref<16x16xi32, #tpu.memory_space<vmem>>, vector<16xi32>,
    tpu.vector_store %arg9[%swap3A_26, %swap3A_27], %broadcast_in_dim3A_3 {strides = array<i32>} : memref<16x16xi32, #tpu.memory_space<vmem>>, vector<16xi32>,
    %swap3A_29 = arith.constant 6 : i32
    %swap3A_30 = arith.index_cast %swap3A_29 : i32 to index
    %swap3A_31 = arith.constant 0 : index
    %swap3A_32 = tpu.vector_load %arg9[%swap3A_30, %swap3A_31] {strides = array<i32>} : memref<16x16xi32, #tpu.memory_space<vmem>>, vector<16xi32>,
    tpu.vector_store %arg9[%swap3A_30, %swap3A_31], %broadcast_in_dim3A_3 {strides = array<i32>} : memref<16x16xi32, #tpu.memory_space<vmem>>, vector<16xi32>,
    %swap3A_33 = arith.constant 7 : i32
    %swap3A_34 = arith.index_cast %swap3A_33 : i32 to index
    %swap3A_35 = arith.constant 0 : index
    %swap3A_36 = tpu.vector_load %arg9[%swap3A_34, %swap3A_35] {strides = array<i32>} : memref<16x16xi32, #tpu.memory_space<vmem>>, vector<16xi32>,
    tpu.vector_store %arg9[%swap3A_34, %swap3A_35], %broadcast_in_dim3A_3 {strides = array<i32>} : memref<16x16xi32, #tpu.memory_space<vmem>>, vector<16xi32>,
    %swap3A_37 = arith.constant 8 : i32
    %swap3A_38 = arith.index_cast %swap3A_37 : i32 to index
    %swap3A_39 = arith.constant 0 : index
    %swap3A_40 = tpu.vector_load %arg9[%swap3A_38, %swap3A_39] {strides = array<i32>} : memref<16x16xi32, #tpu.memory_space<vmem>>, vector<16xi32>,
    tpu.vector_store %arg9[%swap3A_38, %swap3A_39], %broadcast_in_dim3A_3 {strides = array<i32>} : memref<16x16xi32, #tpu.memory_space<vmem>>, vector<16xi32>,
    %swap3A_41 = arith.constant 9 : i32
    %swap3A_42 = arith.index_cast %swap3A_41 : i32 to index
    %swap3A_43 = arith.constant 0 : index
    %swap3A_44 = tpu.vector_load %arg9[%swap3A_42, %swap3A_43] {strides = array<i32>} : memref<16x16xi32, #tpu.memory_space<vmem>>, vector<16xi32>,
    tpu.vector_store %arg9[%swap3A_42, %swap3A_43], %broadcast_in_dim3A_3 {strides = array<i32>} : memref<16x16xi32, #tpu.memory_space<vmem>>, vector<16xi32>,
    %swap3A_45 = arith.constant 10 : i32
    %swap3A_46 = arith.index_cast %swap3A_45 : i32 to index
    %swap3A_47 = arith.constant 0 : index
    %swap3A_48 = tpu.vector_load %arg9[%swap3A_46, %swap3A_47] {strides = array<i32>} : memref<16x16xi32, #tpu.memory_space<vmem>>, vector<16xi32>,
    tpu.vector_store %arg9[%swap3A_46, %swap3A_47], %broadcast_in_dim3A_3 {strides = array<i32>} : memref<16x16xi32, #tpu.memory_space<vmem>>, vector<16xi32>,
    %swap3A_49 = arith.constant 11 : i32
    %swap3A_50 = arith.index_cast %swap3A_49 : i32 to index
    %swap3A_51 = arith.constant 0 : index
    %swap3A_52 = tpu.vector_load %arg9[%swap3A_50, %swap3A_51] {strides = array<i32>} : memref<16x16xi32, #tpu.memory_space<vmem>>, vector<16xi32>,
    tpu.vector_store %arg9[%swap3A_50, %swap3A_51], %broadcast_in_dim3A_3 {strides = array<i32>} : memref<16x16xi32, #tpu.memory_space<vmem>>, vector<16xi32>,
    %swap3A_53 = arith.constant 12 : i32
    %swap3A_54 = arith.index_cast %swap3A_53 : i32 to index
    %swap3A_55 = arith.constant 0 : index
    %swap3A_56 = tpu.vector_load %arg9[%swap3A_54, %swap3A_55] {strides = array<i32>} : memref<16x16xi32, #tpu.memory_space<vmem>>, vector<16xi32>,
    tpu.vector_store %arg9[%swap3A_54, %swap3A_55], %broadcast_in_dim3A_3 {strides = array<i32>} : memref<16x16xi32, #tpu.memory_space<vmem>>, vector<16xi32>,
    %swap3A_57 = arith.constant 13 : i32
    %swap3A_58 = arith.index_cast %swap3A_57 : i32 to index
    %swap3A_59 = arith.constant 0 : index
    %swap3A_60 = tpu.vector_load %arg9[%swap3A_58, %swap3A_59] {strides = array<i32>} : memref<16x16xi32, #tpu.memory_space<vmem>>, vector<16xi32>,
    tpu.vector_store %arg9[%swap3A_58, %swap3A_59], %broadcast_in_dim3A_3 {strides = array<i32>} : memref<16x16xi32, #tpu.memory_space<vmem>>, vector<16xi32>,
    %swap3A_61 = arith.constant 14 : i32
    %swap3A_62 = arith.index_cast %swap3A_61 : i32 to index
    %swap3A_63 = arith.constant 0 : index
    %swap3A_64 = tpu.vector_load %arg9[%swap3A_62, %swap3A_63] {strides = array<i32>} : memref<16x16xi32, #tpu.memory_space<vmem>>, vector<16xi32>,
    tpu.vector_store %arg9[%swap3A_62, %swap3A_63], %broadcast_in_dim3A_3 {strides = array<i32>} : memref<16x16xi32, #tpu.memory_space<vmem>>, vector<16xi32>,
    %swap3A_65 = arith.constant 15 : i32
    %swap3A_66 = arith.index_cast %swap3A_65 : i32 to index
    %swap3A_67 = arith.constant 0 : index
    %swap3A_68 = tpu.vector_load %arg9[%swap3A_66, %swap3A_67] {strides = array<i32>} : memref<16x16xi32, #tpu.memory_space<vmem>>, vector<16xi32>,
    tpu.vector_store %arg9[%swap3A_66, %swap3A_67], %broadcast_in_dim3A_3 {strides = array<i32>} : memref<16x16xi32, #tpu.memory_space<vmem>>, vector<16xi32>,
    %mul3A_69 = arith.constant 128 : i32
    %mul3A_70 = vector.broadcast %mul3A_69 : i32 to vector<16xi32>
    %mul3A_71 = arith.muli %iota3A, %mul3A_70 : vector<16xi32>
    %scan3A = arith.constant 0 : i32
    %scan3A_72 = arith.constant 0 : i32
    %scan3A_73 = arith.constant 64 : i32
    %scan3A_74 = arith.addi %scan3A_72, %scan3A_73 : i32
    %scan3A_75 = arith.constant 1 : i32
    scf.for %scan3A_1242 = %scan3A_72 to %scan3A_74 step %scan3A_75  : i32 {
      %mul3A_1243 = arith.constant 2 : i32
      %mul3A_1244 = arith.muli %scan3A_1242, %mul3A_1243 : i32
      %add3A_1245 = arith.constant 0 : i32
      %add3A_1246 = arith.addi %mul3A_1244, %add3A_1245 : i32
      %add3A_1247 = vector.broadcast %add3A_1246 : i32 to vector<16xi32>
      %add3A_1248 = arith.addi %mul3A_71, %add3A_1247 : vector<16xi32>
      %shift_right_arithmetic3A = arith.constant 7 : i32
      %shift_right_arithmetic3A_1249 = vector.broadcast %shift_right_arithmetic3A : i32 to vector<16xi32>
      %shift_right_arithmetic3A_1250 = arith.shrsi %add3A_1248, %shift_right_arithmetic3A_1249 : vector<16xi32>
      %and3A_1251 = arith.constant 127 : i32
      %and3A_1252 = vector.broadcast %and3A_1251 : i32 to vector<16xi32>
      %and3A_1253 = arith.andi %add3A_1248, %and3A_1252 : vector<16xi32>
      %gather3A = tpu.vector_load_idx %arg7[%shift_right_arithmetic3A_1250, %and3A_1253] : memref<16x128xi32, #tpu.memory_space<vmem>>[vector<16xi32>, vector<16xi32>], vector<16xi32>,
      tpu.vector_store_idx %arg9[%iota3A, %gather3A], %broadcast_in_dim3A_5 {add = true} : memref<16x16xi32, #tpu.memory_space<vmem>>[vector<16xi32>, vector<16xi32>], vector<16xi32>,
      %mul3A_1254 = arith.constant 2 : i32
      %mul3A_1255 = arith.muli %scan3A_1242, %mul3A_1254 : i32
      %add3A_1256 = arith.constant 1 : i32
      %add3A_1257 = arith.addi %mul3A_1255, %add3A_1256 : i32
      %add3A_1258 = vector.broadcast %add3A_1257 : i32 to vector<16xi32>
      %add3A_1259 = arith.addi %mul3A_71, %add3A_1258 : vector<16xi32>
      %shift_right_arithmetic3A_1260 = arith.constant 7 : i32
      %shift_right_arithmetic3A_1261 = vector.broadcast %shift_right_arithmetic3A_1260 : i32 to vector<16xi32>
      %shift_right_arithmetic3A_1262 = arith.shrsi %add3A_1259, %shift_right_arithmetic3A_1261 : vector<16xi32>
      %and3A_1263 = arith.constant 127 : i32
      %and3A_1264 = vector.broadcast %and3A_1263 : i32 to vector<16xi32>
      %and3A_1265 = arith.andi %add3A_1259, %and3A_1264 : vector<16xi32>
      %gather3A_1266 = tpu.vector_load_idx %arg7[%shift_right_arithmetic3A_1262, %and3A_1265] : memref<16x128xi32, #tpu.memory_space<vmem>>[vector<16xi32>, vector<16xi32>], vector<16xi32>,
      tpu.vector_store_idx %arg9[%iota3A, %gather3A_1266], %broadcast_in_dim3A_5 {add = true} : memref<16x16xi32, #tpu.memory_space<vmem>>[vector<16xi32>, vector<16xi32>], vector<16xi32>,
    }
    %scan3A_76 = arith.constant 64 : i32
    %broadcast_in_dim3A_77 = arith.constant 0 : i32
    %broadcast_in_dim3A_78 = vector.broadcast %broadcast_in_dim3A_77 : i32 to vector<16xi32>
    %get3A = arith.constant 0 : i32
    %get3A_79 = arith.index_cast %get3A : i32 to index
    %get3A_80 = arith.constant 0 : index
    %get3A_81 = tpu.vector_load %arg9[%get3A_79, %get3A_80] {strides = array<i32>} : memref<16x16xi32, #tpu.memory_space<vmem>>, vector<16xi32>,
    %add3A = arith.addi %broadcast_in_dim3A_78, %get3A_81 : vector<16xi32>
    %get3A_82 = arith.constant 1 : i32
    %get3A_83 = arith.index_cast %get3A_82 : i32 to index
    %get3A_84 = arith.constant 0 : index
    %get3A_85 = tpu.vector_load %arg9[%get3A_83, %get3A_84] {strides = array<i32>} : memref<16x16xi32, #tpu.memory_space<vmem>>, vector<16xi32>,
    %add3A_86 = arith.addi %add3A, %get3A_85 : vector<16xi32>
    %get3A_87 = arith.constant 2 : i32
    %get3A_88 = arith.index_cast %get3A_87 : i32 to index
    %get3A_89 = arith.constant 0 : index
    %get3A_90 = tpu.vector_load %arg9[%get3A_88, %get3A_89] {strides = array<i32>} : memref<16x16xi32, #tpu.memory_space<vmem>>, vector<16xi32>,
    %add3A_91 = arith.addi %add3A_86, %get3A_90 : vector<16xi32>
    %get3A_92 = arith.constant 3 : i32
    %get3A_93 = arith.index_cast %get3A_92 : i32 to index
    %get3A_94 = arith.constant 0 : index
    %get3A_95 = tpu.vector_load %arg9[%get3A_93, %get3A_94] {strides = array<i32>} : memref<16x16xi32, #tpu.memory_space<vmem>>, vector<16xi32>,
    %add3A_96 = arith.addi %add3A_91, %get3A_95 : vector<16xi32>
    %get3A_97 = arith.constant 4 : i32
    %get3A_98 = arith.index_cast %get3A_97 : i32 to index
    %get3A_99 = arith.constant 0 : index
    %get3A_100 = tpu.vector_load %arg9[%get3A_98, %get3A_99] {strides = array<i32>} : memref<16x16xi32, #tpu.memory_space<vmem>>, vector<16xi32>,
    %add3A_101 = arith.addi %add3A_96, %get3A_100 : vector<16xi32>
    %get3A_102 = arith.constant 5 : i32
    %get3A_103 = arith.index_cast %get3A_102 : i32 to index
    %get3A_104 = arith.constant 0 : index
    %get3A_105 = tpu.vector_load %arg9[%get3A_103, %get3A_104] {strides = array<i32>} : memref<16x16xi32, #tpu.memory_space<vmem>>, vector<16xi32>,
    %add3A_106 = arith.addi %add3A_101, %get3A_105 : vector<16xi32>
    %get3A_107 = arith.constant 6 : i32
    %get3A_108 = arith.index_cast %get3A_107 : i32 to index
    %get3A_109 = arith.constant 0 : index
    %get3A_110 = tpu.vector_load %arg9[%get3A_108, %get3A_109] {strides = array<i32>} : memref<16x16xi32, #tpu.memory_space<vmem>>, vector<16xi32>,
    %add3A_111 = arith.addi %add3A_106, %get3A_110 : vector<16xi32>
    %get3A_112 = arith.constant 7 : i32
    %get3A_113 = arith.index_cast %get3A_112 : i32 to index
    %get3A_114 = arith.constant 0 : index
    %get3A_115 = tpu.vector_load %arg9[%get3A_113, %get3A_114] {strides = array<i32>} : memref<16x16xi32, #tpu.memory_space<vmem>>, vector<16xi32>,
    %add3A_116 = arith.addi %add3A_111, %get3A_115 : vector<16xi32>
    %get3A_117 = arith.constant 8 : i32
    %get3A_118 = arith.index_cast %get3A_117 : i32 to index
    %get3A_119 = arith.constant 0 : index
    %get3A_120 = tpu.vector_load %arg9[%get3A_118, %get3A_119] {strides = array<i32>} : memref<16x16xi32, #tpu.memory_space<vmem>>, vector<16xi32>,
    %add3A_121 = arith.addi %add3A_116, %get3A_120 : vector<16xi32>
    %get3A_122 = arith.constant 9 : i32
    %get3A_123 = arith.index_cast %get3A_122 : i32 to index
    %get3A_124 = arith.constant 0 : index
    %get3A_125 = tpu.vector_load %arg9[%get3A_123, %get3A_124] {strides = array<i32>} : memref<16x16xi32, #tpu.memory_space<vmem>>, vector<16xi32>,
    %add3A_126 = arith.addi %add3A_121, %get3A_125 : vector<16xi32>
    %get3A_127 = arith.constant 10 : i32
    %get3A_128 = arith.index_cast %get3A_127 : i32 to index
    %get3A_129 = arith.constant 0 : index
    %get3A_130 = tpu.vector_load %arg9[%get3A_128, %get3A_129] {strides = array<i32>} : memref<16x16xi32, #tpu.memory_space<vmem>>, vector<16xi32>,
    %add3A_131 = arith.addi %add3A_126, %get3A_130 : vector<16xi32>
    %get3A_132 = arith.constant 11 : i32
    %get3A_133 = arith.index_cast %get3A_132 : i32 to index
    %get3A_134 = arith.constant 0 : index
    %get3A_135 = tpu.vector_load %arg9[%get3A_133, %get3A_134] {strides = array<i32>} : memref<16x16xi32, #tpu.memory_space<vmem>>, vector<16xi32>,
    %add3A_136 = arith.addi %add3A_131, %get3A_135 : vector<16xi32>
    %get3A_137 = arith.constant 12 : i32
    %get3A_138 = arith.index_cast %get3A_137 : i32 to index
    %get3A_139 = arith.constant 0 : index
    %get3A_140 = tpu.vector_load %arg9[%get3A_138, %get3A_139] {strides = array<i32>} : memref<16x16xi32, #tpu.memory_space<vmem>>, vector<16xi32>,
    %add3A_141 = arith.addi %add3A_136, %get3A_140 : vector<16xi32>
    %get3A_142 = arith.constant 13 : i32
    %get3A_143 = arith.index_cast %get3A_142 : i32 to index
    %get3A_144 = arith.constant 0 : index
    %get3A_145 = tpu.vector_load %arg9[%get3A_143, %get3A_144] {strides = array<i32>} : memref<16x16xi32, #tpu.memory_space<vmem>>, vector<16xi32>,
    %add3A_146 = arith.addi %add3A_141, %get3A_145 : vector<16xi32>
    %get3A_147 = arith.constant 14 : i32
    %get3A_148 = arith.index_cast %get3A_147 : i32 to index
    %get3A_149 = arith.constant 0 : index
    %get3A_150 = tpu.vector_load %arg9[%get3A_148, %get3A_149] {strides = array<i32>} : memref<16x16xi32, #tpu.memory_space<vmem>>, vector<16xi32>,
    %add3A_151 = arith.addi %add3A_146, %get3A_150 : vector<16xi32>
    %get3A_152 = arith.constant 15 : i32
    %get3A_153 = arith.index_cast %get3A_152 : i32 to index
    %get3A_154 = arith.constant 0 : index
    %get3A_155 = tpu.vector_load %arg9[%get3A_153, %get3A_154] {strides = array<i32>} : memref<16x16xi32, #tpu.memory_space<vmem>>, vector<16xi32>,
    %add3A_156 = arith.addi %add3A_151, %get3A_155 : vector<16xi32>
    %swap3A_157 = arith.constant 0 : index
    %swap3A_158 = tpu.vector_load %arg10[%swap3A_157] {strides = array<i32>} : memref<16xi32, #tpu.memory_space<vmem>>, vector<16xi32>,
    tpu.vector_store %arg10[%swap3A_157], %add3A_156 {strides = array<i32>} : memref<16xi32, #tpu.memory_space<vmem>>, vector<16xi32>,
    "tpu.region"() ({
      %run_scoped3A = tpu.sem_alloc : memref<!tpu.dma_semaphore, #tpu.memory_space<semaphore_mem>>
      %dma_start3A_1242 = arith.constant 0 : i32
      %dma_start3A_1243 = tpu.memref_slice %arg20[%arg1, %dma_start3A_1242] : memref<16x16xi32, #tpu.memory_space<vmem_shared>> -> memref<1x16xi32, #tpu.memory_space<vmem_shared>>
      %dma_start3A_1244 = tpu.memref_squeeze %dma_start3A_1243 : memref<1x16xi32, #tpu.memory_space<vmem_shared>> -> memref<16xi32, #tpu.memory_space<vmem_shared>>
      %dma_start3A_1245 = arith.constant 0 : i32
      %dma_start3A_1246 = tpu.memref_slice %arg20[%arg1, %dma_start3A_1245] : memref<16x16xi32, #tpu.memory_space<vmem_shared>> -> memref<1x16xi32, #tpu.memory_space<vmem_shared>>
      %dma_start3A_1247 = tpu.memref_squeeze %dma_start3A_1246 : memref<1x16xi32, #tpu.memory_space<vmem_shared>> -> memref<16xi32, #tpu.memory_space<vmem_shared>>
      tpu.enqueue_dma source(%arg10 : memref<16xi32, #tpu.memory_space<vmem>>) target(%dma_start3A_1247 : memref<16xi32, #tpu.memory_space<vmem_shared>>) target_semaphore(%run_scoped3A : memref<!tpu.dma_semaphore, #tpu.memory_space<semaphore_mem>>)
      %dma_wait3A_1248 = arith.constant 0 : i32
      %dma_wait3A_1249 = tpu.memref_slice %arg20[%arg1, %dma_wait3A_1248] : memref<16x16xi32, #tpu.memory_space<vmem_shared>> -> memref<1x16xi32, #tpu.memory_space<vmem_shared>>
      %dma_wait3A_1250 = tpu.memref_squeeze %dma_wait3A_1249 : memref<1x16xi32, #tpu.memory_space<vmem_shared>> -> memref<16xi32, #tpu.memory_space<vmem_shared>>
      %dma_wait3A_1251 = arith.constant 0 : i32
      %dma_wait3A_1252 = tpu.memref_slice %arg20[%arg1, %dma_wait3A_1251] : memref<16x16xi32, #tpu.memory_space<vmem_shared>> -> memref<1x16xi32, #tpu.memory_space<vmem_shared>>
      %dma_wait3A_1253 = tpu.memref_squeeze %dma_wait3A_1252 : memref<1x16xi32, #tpu.memory_space<vmem_shared>> -> memref<16xi32, #tpu.memory_space<vmem_shared>>
      tpu.wait_dma2 semaphore(%run_scoped3A : memref<!tpu.dma_semaphore, #tpu.memory_space<semaphore_mem>>) src(%arg10 : memref<16xi32, #tpu.memory_space<vmem>>) dst(%dma_wait3A_1253 : memref<16xi32, #tpu.memory_space<vmem_shared>>)
      tpu.yield
    }) : () -> ()
    %barrier3A = arith.constant 0 : index
    tpu.barrier barrier_id(%barrier3A)
    "tpu.region"() ({
      %run_scoped3A = tpu.sem_alloc : memref<!tpu.dma_semaphore, #tpu.memory_space<semaphore_mem>>
      tpu.enqueue_dma source(%arg20 : memref<16x16xi32, #tpu.memory_space<vmem_shared>>) target(%arg11 : memref<16x16xi32, #tpu.memory_space<vmem>>) target_semaphore(%run_scoped3A : memref<!tpu.dma_semaphore, #tpu.memory_space<semaphore_mem>>)
      tpu.wait_dma2 semaphore(%run_scoped3A : memref<!tpu.dma_semaphore, #tpu.memory_space<semaphore_mem>>) src(%arg20 : memref<16x16xi32, #tpu.memory_space<vmem_shared>>) dst(%arg11 : memref<16x16xi32, #tpu.memory_space<vmem>>)
      tpu.yield
    }) : () -> ()
    %broadcast_in_dim3A_159 = arith.constant 0 : i32
    %broadcast_in_dim3A_160 = vector.broadcast %broadcast_in_dim3A_159 : i32 to vector<16xi32>
    %broadcast_in_dim3A_161 = arith.constant 0 : i32
    %broadcast_in_dim3A_162 = vector.broadcast %broadcast_in_dim3A_161 : i32 to vector<16xi32>
    %get3A_163 = arith.constant 0 : i32
    %get3A_164 = arith.index_cast %get3A_163 : i32 to index
    %get3A_165 = arith.constant 0 : index
    %get3A_166 = tpu.vector_load %arg11[%get3A_164, %get3A_165] {strides = array<i32>} : memref<16x16xi32, #tpu.memory_space<vmem>>, vector<16xi32>,
    %add3A_167 = arith.addi %broadcast_in_dim3A_160, %get3A_166 : vector<16xi32>
    %gt3A = arith.constant 0 : i32
    %gt3A_168 = arith.cmpi sgt, %arg1, %gt3A : i32
    %jit3A = arith.constant 0 : i32
    %broadcast_in_dim3A_169 = vector.broadcast %jit3A : i32 to vector<16xi32>
    %select_n3A = arith.select %gt3A_168, %get3A_166, %broadcast_in_dim3A_169 : vector<16xi32>
    %add3A_170 = arith.addi %broadcast_in_dim3A_162, %select_n3A : vector<16xi32>
    %get3A_171 = arith.constant 1 : i32
    %get3A_172 = arith.index_cast %get3A_171 : i32 to index
    %get3A_173 = arith.constant 0 : index
    %get3A_174 = tpu.vector_load %arg11[%get3A_172, %get3A_173] {strides = array<i32>} : memref<16x16xi32, #tpu.memory_space<vmem>>, vector<16xi32>,
    %add3A_175 = arith.addi %add3A_167, %get3A_174 : vector<16xi32>
    %gt3A_176 = arith.constant 1 : i32
    %gt3A_177 = arith.cmpi sgt, %arg1, %gt3A_176 : i32
    %jit3A_178 = arith.constant 0 : i32
    %broadcast_in_dim3A_179 = vector.broadcast %jit3A_178 : i32 to vector<16xi32>
    %select_n3A_180 = arith.select %gt3A_177, %get3A_174, %broadcast_in_dim3A_179 : vector<16xi32>
    %add3A_181 = arith.addi %add3A_170, %select_n3A_180 : vector<16xi32>
    %get3A_182 = arith.constant 2 : i32
    %get3A_183 = arith.index_cast %get3A_182 : i32 to index
    %get3A_184 = arith.constant 0 : index
    %get3A_185 = tpu.vector_load %arg11[%get3A_183, %get3A_184] {strides = array<i32>} : memref<16x16xi32, #tpu.memory_space<vmem>>, vector<16xi32>,
    %add3A_186 = arith.addi %add3A_175, %get3A_185 : vector<16xi32>
    %gt3A_187 = arith.constant 2 : i32
    %gt3A_188 = arith.cmpi sgt, %arg1, %gt3A_187 : i32
    %jit3A_189 = arith.constant 0 : i32
    %broadcast_in_dim3A_190 = vector.broadcast %jit3A_189 : i32 to vector<16xi32>
    %select_n3A_191 = arith.select %gt3A_188, %get3A_185, %broadcast_in_dim3A_190 : vector<16xi32>
    %add3A_192 = arith.addi %add3A_181, %select_n3A_191 : vector<16xi32>
    %get3A_193 = arith.constant 3 : i32
    %get3A_194 = arith.index_cast %get3A_193 : i32 to index
    %get3A_195 = arith.constant 0 : index
    %get3A_196 = tpu.vector_load %arg11[%get3A_194, %get3A_195] {strides = array<i32>} : memref<16x16xi32, #tpu.memory_space<vmem>>, vector<16xi32>,
    %add3A_197 = arith.addi %add3A_186, %get3A_196 : vector<16xi32>
    %gt3A_198 = arith.constant 3 : i32
    %gt3A_199 = arith.cmpi sgt, %arg1, %gt3A_198 : i32
    %jit3A_200 = arith.constant 0 : i32
    %broadcast_in_dim3A_201 = vector.broadcast %jit3A_200 : i32 to vector<16xi32>
    %select_n3A_202 = arith.select %gt3A_199, %get3A_196, %broadcast_in_dim3A_201 : vector<16xi32>
    %add3A_203 = arith.addi %add3A_192, %select_n3A_202 : vector<16xi32>
    %get3A_204 = arith.constant 4 : i32
    %get3A_205 = arith.index_cast %get3A_204 : i32 to index
    %get3A_206 = arith.constant 0 : index
    %get3A_207 = tpu.vector_load %arg11[%get3A_205, %get3A_206] {strides = array<i32>} : memref<16x16xi32, #tpu.memory_space<vmem>>, vector<16xi32>,
    %add3A_208 = arith.addi %add3A_197, %get3A_207 : vector<16xi32>
    %gt3A_209 = arith.constant 4 : i32
    %gt3A_210 = arith.cmpi sgt, %arg1, %gt3A_209 : i32
    %jit3A_211 = arith.constant 0 : i32
    %broadcast_in_dim3A_212 = vector.broadcast %jit3A_211 : i32 to vector<16xi32>
    %select_n3A_213 = arith.select %gt3A_210, %get3A_207, %broadcast_in_dim3A_212 : vector<16xi32>
    %add3A_214 = arith.addi %add3A_203, %select_n3A_213 : vector<16xi32>
    %get3A_215 = arith.constant 5 : i32
    %get3A_216 = arith.index_cast %get3A_215 : i32 to index
    %get3A_217 = arith.constant 0 : index
    %get3A_218 = tpu.vector_load %arg11[%get3A_216, %get3A_217] {strides = array<i32>} : memref<16x16xi32, #tpu.memory_space<vmem>>, vector<16xi32>,
    %add3A_219 = arith.addi %add3A_208, %get3A_218 : vector<16xi32>
    %gt3A_220 = arith.constant 5 : i32
    %gt3A_221 = arith.cmpi sgt, %arg1, %gt3A_220 : i32
    %jit3A_222 = arith.constant 0 : i32
    %broadcast_in_dim3A_223 = vector.broadcast %jit3A_222 : i32 to vector<16xi32>
    %select_n3A_224 = arith.select %gt3A_221, %get3A_218, %broadcast_in_dim3A_223 : vector<16xi32>
    %add3A_225 = arith.addi %add3A_214, %select_n3A_224 : vector<16xi32>
    %get3A_226 = arith.constant 6 : i32
    %get3A_227 = arith.index_cast %get3A_226 : i32 to index
    %get3A_228 = arith.constant 0 : index
    %get3A_229 = tpu.vector_load %arg11[%get3A_227, %get3A_228] {strides = array<i32>} : memref<16x16xi32, #tpu.memory_space<vmem>>, vector<16xi32>,
    %add3A_230 = arith.addi %add3A_219, %get3A_229 : vector<16xi32>
    %gt3A_231 = arith.constant 6 : i32
    %gt3A_232 = arith.cmpi sgt, %arg1, %gt3A_231 : i32
    %jit3A_233 = arith.constant 0 : i32
    %broadcast_in_dim3A_234 = vector.broadcast %jit3A_233 : i32 to vector<16xi32>
    %select_n3A_235 = arith.select %gt3A_232, %get3A_229, %broadcast_in_dim3A_234 : vector<16xi32>
    %add3A_236 = arith.addi %add3A_225, %select_n3A_235 : vector<16xi32>
    %get3A_237 = arith.constant 7 : i32
    %get3A_238 = arith.index_cast %get3A_237 : i32 to index
    %get3A_239 = arith.constant 0 : index
    %get3A_240 = tpu.vector_load %arg11[%get3A_238, %get3A_239] {strides = array<i32>} : memref<16x16xi32, #tpu.memory_space<vmem>>, vector<16xi32>,
    %add3A_241 = arith.addi %add3A_230, %get3A_240 : vector<16xi32>
    %gt3A_242 = arith.constant 7 : i32
    %gt3A_243 = arith.cmpi sgt, %arg1, %gt3A_242 : i32
    %jit3A_244 = arith.constant 0 : i32
    %broadcast_in_dim3A_245 = vector.broadcast %jit3A_244 : i32 to vector<16xi32>
    %select_n3A_246 = arith.select %gt3A_243, %get3A_240, %broadcast_in_dim3A_245 : vector<16xi32>
    %add3A_247 = arith.addi %add3A_236, %select_n3A_246 : vector<16xi32>
    %get3A_248 = arith.constant 8 : i32
    %get3A_249 = arith.index_cast %get3A_248 : i32 to index
    %get3A_250 = arith.constant 0 : index
    %get3A_251 = tpu.vector_load %arg11[%get3A_249, %get3A_250] {strides = array<i32>} : memref<16x16xi32, #tpu.memory_space<vmem>>, vector<16xi32>,
    %add3A_252 = arith.addi %add3A_241, %get3A_251 : vector<16xi32>
    %gt3A_253 = arith.constant 8 : i32
    %gt3A_254 = arith.cmpi sgt, %arg1, %gt3A_253 : i32
    %jit3A_255 = arith.constant 0 : i32
    %broadcast_in_dim3A_256 = vector.broadcast %jit3A_255 : i32 to vector<16xi32>
    %select_n3A_257 = arith.select %gt3A_254, %get3A_251, %broadcast_in_dim3A_256 : vector<16xi32>
    %add3A_258 = arith.addi %add3A_247, %select_n3A_257 : vector<16xi32>
    %get3A_259 = arith.constant 9 : i32
    %get3A_260 = arith.index_cast %get3A_259 : i32 to index
    %get3A_261 = arith.constant 0 : index
    %get3A_262 = tpu.vector_load %arg11[%get3A_260, %get3A_261] {strides = array<i32>} : memref<16x16xi32, #tpu.memory_space<vmem>>, vector<16xi32>,
    %add3A_263 = arith.addi %add3A_252, %get3A_262 : vector<16xi32>
    %gt3A_264 = arith.constant 9 : i32
    %gt3A_265 = arith.cmpi sgt, %arg1, %gt3A_264 : i32
    %jit3A_266 = arith.constant 0 : i32
    %broadcast_in_dim3A_267 = vector.broadcast %jit3A_266 : i32 to vector<16xi32>
    %select_n3A_268 = arith.select %gt3A_265, %get3A_262, %broadcast_in_dim3A_267 : vector<16xi32>
    %add3A_269 = arith.addi %add3A_258, %select_n3A_268 : vector<16xi32>
    %get3A_270 = arith.constant 10 : i32
    %get3A_271 = arith.index_cast %get3A_270 : i32 to index
    %get3A_272 = arith.constant 0 : index
    %get3A_273 = tpu.vector_load %arg11[%get3A_271, %get3A_272] {strides = array<i32>} : memref<16x16xi32, #tpu.memory_space<vmem>>, vector<16xi32>,
    %add3A_274 = arith.addi %add3A_263, %get3A_273 : vector<16xi32>
    %gt3A_275 = arith.constant 10 : i32
    %gt3A_276 = arith.cmpi sgt, %arg1, %gt3A_275 : i32
    %jit3A_277 = arith.constant 0 : i32
    %broadcast_in_dim3A_278 = vector.broadcast %jit3A_277 : i32 to vector<16xi32>
    %select_n3A_279 = arith.select %gt3A_276, %get3A_273, %broadcast_in_dim3A_278 : vector<16xi32>
    %add3A_280 = arith.addi %add3A_269, %select_n3A_279 : vector<16xi32>
    %get3A_281 = arith.constant 11 : i32
    %get3A_282 = arith.index_cast %get3A_281 : i32 to index
    %get3A_283 = arith.constant 0 : index
    %get3A_284 = tpu.vector_load %arg11[%get3A_282, %get3A_283] {strides = array<i32>} : memref<16x16xi32, #tpu.memory_space<vmem>>, vector<16xi32>,
    %add3A_285 = arith.addi %add3A_274, %get3A_284 : vector<16xi32>
    %gt3A_286 = arith.constant 11 : i32
    %gt3A_287 = arith.cmpi sgt, %arg1, %gt3A_286 : i32
    %jit3A_288 = arith.constant 0 : i32
    %broadcast_in_dim3A_289 = vector.broadcast %jit3A_288 : i32 to vector<16xi32>
    %select_n3A_290 = arith.select %gt3A_287, %get3A_284, %broadcast_in_dim3A_289 : vector<16xi32>
    %add3A_291 = arith.addi %add3A_280, %select_n3A_290 : vector<16xi32>
    %get3A_292 = arith.constant 12 : i32
    %get3A_293 = arith.index_cast %get3A_292 : i32 to index
    %get3A_294 = arith.constant 0 : index
    %get3A_295 = tpu.vector_load %arg11[%get3A_293, %get3A_294] {strides = array<i32>} : memref<16x16xi32, #tpu.memory_space<vmem>>, vector<16xi32>,
    %add3A_296 = arith.addi %add3A_285, %get3A_295 : vector<16xi32>
    %gt3A_297 = arith.constant 12 : i32
    %gt3A_298 = arith.cmpi sgt, %arg1, %gt3A_297 : i32
    %jit3A_299 = arith.constant 0 : i32
    %broadcast_in_dim3A_300 = vector.broadcast %jit3A_299 : i32 to vector<16xi32>
    %select_n3A_301 = arith.select %gt3A_298, %get3A_295, %broadcast_in_dim3A_300 : vector<16xi32>
    %add3A_302 = arith.addi %add3A_291, %select_n3A_301 : vector<16xi32>
    %get3A_303 = arith.constant 13 : i32
    %get3A_304 = arith.index_cast %get3A_303 : i32 to index
    %get3A_305 = arith.constant 0 : index
    %get3A_306 = tpu.vector_load %arg11[%get3A_304, %get3A_305] {strides = array<i32>} : memref<16x16xi32, #tpu.memory_space<vmem>>, vector<16xi32>,
    %add3A_307 = arith.addi %add3A_296, %get3A_306 : vector<16xi32>
    %gt3A_308 = arith.constant 13 : i32
    %gt3A_309 = arith.cmpi sgt, %arg1, %gt3A_308 : i32
    %jit3A_310 = arith.constant 0 : i32
    %broadcast_in_dim3A_311 = vector.broadcast %jit3A_310 : i32 to vector<16xi32>
    %select_n3A_312 = arith.select %gt3A_309, %get3A_306, %broadcast_in_dim3A_311 : vector<16xi32>
    %add3A_313 = arith.addi %add3A_302, %select_n3A_312 : vector<16xi32>
    %get3A_314 = arith.constant 14 : i32
    %get3A_315 = arith.index_cast %get3A_314 : i32 to index
    %get3A_316 = arith.constant 0 : index
    %get3A_317 = tpu.vector_load %arg11[%get3A_315, %get3A_316] {strides = array<i32>} : memref<16x16xi32, #tpu.memory_space<vmem>>, vector<16xi32>,
    %add3A_318 = arith.addi %add3A_307, %get3A_317 : vector<16xi32>
    %gt3A_319 = arith.constant 14 : i32
    %gt3A_320 = arith.cmpi sgt, %arg1, %gt3A_319 : i32
    %jit3A_321 = arith.constant 0 : i32
    %broadcast_in_dim3A_322 = vector.broadcast %jit3A_321 : i32 to vector<16xi32>
    %select_n3A_323 = arith.select %gt3A_320, %get3A_317, %broadcast_in_dim3A_322 : vector<16xi32>
    %add3A_324 = arith.addi %add3A_313, %select_n3A_323 : vector<16xi32>
    %get3A_325 = arith.constant 15 : i32
    %get3A_326 = arith.index_cast %get3A_325 : i32 to index
    %get3A_327 = arith.constant 0 : index
    %get3A_328 = tpu.vector_load %arg11[%get3A_326, %get3A_327] {strides = array<i32>} : memref<16x16xi32, #tpu.memory_space<vmem>>, vector<16xi32>,
    %add3A_329 = arith.addi %add3A_318, %get3A_328 : vector<16xi32>
    %gt3A_330 = arith.constant 15 : i32
    %gt3A_331 = arith.cmpi sgt, %arg1, %gt3A_330 : i32
    %jit3A_332 = arith.constant 0 : i32
    %broadcast_in_dim3A_333 = vector.broadcast %jit3A_332 : i32 to vector<16xi32>
    %select_n3A_334 = arith.select %gt3A_331, %get3A_328, %broadcast_in_dim3A_333 : vector<16xi32>
    %add3A_335 = arith.addi %add3A_324, %select_n3A_334 : vector<16xi32>
    %broadcast_in_dim3A_336 = arith.constant true
    %broadcast_in_dim3A_337 = vector.broadcast %broadcast_in_dim3A_336 : i1 to vector<16xi1>
    %masked_cumsum3A = tpu.scan <sum>, %add3A_329 masked %broadcast_in_dim3A_337 : vector<16xi32>, vector<16xi1> -> vector<16xi32>
    %sub3A = arith.subi %masked_cumsum3A, %add3A_329 : vector<16xi32>
    %add3A_338 = arith.addi %sub3A, %add3A_335 : vector<16xi32>
    %broadcast_in_dim3A_339 = arith.constant true
    %broadcast_in_dim3A_340 = vector.broadcast %broadcast_in_dim3A_339 : i1 to vector<16xi1>
    %masked_cumsum3A_341 = tpu.scan <sum>, %add3A_156 masked %broadcast_in_dim3A_340 : vector<16xi32>, vector<16xi1> -> vector<16xi32>
    %sub3A_342 = arith.subi %masked_cumsum3A_341, %add3A_156 : vector<16xi32>
    %swap3A_343 = arith.constant 0 : i32
    %swap3A_344 = arith.index_cast %swap3A_343 : i32 to index
    %swap3A_345 = arith.constant 0 : index
    %swap3A_346 = tpu.vector_load %arg12[%swap3A_344, %swap3A_345] {strides = array<i32>} : memref<16x16xi32, #tpu.memory_space<vmem>>, vector<16xi32>,
    tpu.vector_store %arg12[%swap3A_344, %swap3A_345], %add3A_338 {strides = array<i32>} : memref<16x16xi32, #tpu.memory_space<vmem>>, vector<16xi32>,
    %sub3A_347 = arith.subi %add3A_338, %sub3A_342 : vector<16xi32>
    %swap3A_348 = arith.constant 0 : i32
    %swap3A_349 = arith.index_cast %swap3A_348 : i32 to index
    %swap3A_350 = arith.constant 0 : index
    %swap3A_351 = tpu.vector_load %arg13[%swap3A_349, %swap3A_350] {strides = array<i32>} : memref<16x16xi32, #tpu.memory_space<vmem>>, vector<16xi32>,
    tpu.vector_store %arg13[%swap3A_349, %swap3A_350], %sub3A_347 {strides = array<i32>} : memref<16x16xi32, #tpu.memory_space<vmem>>, vector<16xi32>,
    %get3A_352 = arith.constant 0 : i32
    %get3A_353 = arith.index_cast %get3A_352 : i32 to index
    %get3A_354 = arith.constant 0 : index
    %get3A_355 = tpu.vector_load %arg9[%get3A_353, %get3A_354] {strides = array<i32>} : memref<16x16xi32, #tpu.memory_space<vmem>>, vector<16xi32>,
    %add3A_356 = arith.addi %add3A_338, %get3A_355 : vector<16xi32>
    %add3A_357 = arith.addi %sub3A_342, %get3A_355 : vector<16xi32>
    %swap3A_358 = arith.constant 1 : i32
    %swap3A_359 = arith.index_cast %swap3A_358 : i32 to index
    %swap3A_360 = arith.constant 0 : index
    %swap3A_361 = tpu.vector_load %arg12[%swap3A_359, %swap3A_360] {strides = array<i32>} : memref<16x16xi32, #tpu.memory_space<vmem>>, vector<16xi32>,
    tpu.vector_store %arg12[%swap3A_359, %swap3A_360], %add3A_356 {strides = array<i32>} : memref<16x16xi32, #tpu.memory_space<vmem>>, vector<16xi32>,
    %sub3A_362 = arith.subi %add3A_356, %add3A_357 : vector<16xi32>
    %swap3A_363 = arith.constant 1 : i32
    %swap3A_364 = arith.index_cast %swap3A_363 : i32 to index
    %swap3A_365 = arith.constant 0 : index
    %swap3A_366 = tpu.vector_load %arg13[%swap3A_364, %swap3A_365] {strides = array<i32>} : memref<16x16xi32, #tpu.memory_space<vmem>>, vector<16xi32>,
    tpu.vector_store %arg13[%swap3A_364, %swap3A_365], %sub3A_362 {strides = array<i32>} : memref<16x16xi32, #tpu.memory_space<vmem>>, vector<16xi32>,
    %get3A_367 = arith.constant 1 : i32
    %get3A_368 = arith.index_cast %get3A_367 : i32 to index
    %get3A_369 = arith.constant 0 : index
    %get3A_370 = tpu.vector_load %arg9[%get3A_368, %get3A_369] {strides = array<i32>} : memref<16x16xi32, #tpu.memory_space<vmem>>, vector<16xi32>,
    %add3A_371 = arith.addi %add3A_356, %get3A_370 : vector<16xi32>
    %add3A_372 = arith.addi %add3A_357, %get3A_370 : vector<16xi32>
    %swap3A_373 = arith.constant 2 : i32
    %swap3A_374 = arith.index_cast %swap3A_373 : i32 to index
    %swap3A_375 = arith.constant 0 : index
    %swap3A_376 = tpu.vector_load %arg12[%swap3A_374, %swap3A_375] {strides = array<i32>} : memref<16x16xi32, #tpu.memory_space<vmem>>, vector<16xi32>,
    tpu.vector_store %arg12[%swap3A_374, %swap3A_375], %add3A_371 {strides = array<i32>} : memref<16x16xi32, #tpu.memory_space<vmem>>, vector<16xi32>,
    %sub3A_377 = arith.subi %add3A_371, %add3A_372 : vector<16xi32>
    %swap3A_378 = arith.constant 2 : i32
    %swap3A_379 = arith.index_cast %swap3A_378 : i32 to index
    %swap3A_380 = arith.constant 0 : index
    %swap3A_381 = tpu.vector_load %arg13[%swap3A_379, %swap3A_380] {strides = array<i32>} : memref<16x16xi32, #tpu.memory_space<vmem>>, vector<16xi32>,
    tpu.vector_store %arg13[%swap3A_379, %swap3A_380], %sub3A_377 {strides = array<i32>} : memref<16x16xi32, #tpu.memory_space<vmem>>, vector<16xi32>,
    %get3A_382 = arith.constant 2 : i32
    %get3A_383 = arith.index_cast %get3A_382 : i32 to index
    %get3A_384 = arith.constant 0 : index
    %get3A_385 = tpu.vector_load %arg9[%get3A_383, %get3A_384] {strides = array<i32>} : memref<16x16xi32, #tpu.memory_space<vmem>>, vector<16xi32>,
    %add3A_386 = arith.addi %add3A_371, %get3A_385 : vector<16xi32>
    %add3A_387 = arith.addi %add3A_372, %get3A_385 : vector<16xi32>
    %swap3A_388 = arith.constant 3 : i32
    %swap3A_389 = arith.index_cast %swap3A_388 : i32 to index
    %swap3A_390 = arith.constant 0 : index
    %swap3A_391 = tpu.vector_load %arg12[%swap3A_389, %swap3A_390] {strides = array<i32>} : memref<16x16xi32, #tpu.memory_space<vmem>>, vector<16xi32>,
    tpu.vector_store %arg12[%swap3A_389, %swap3A_390], %add3A_386 {strides = array<i32>} : memref<16x16xi32, #tpu.memory_space<vmem>>, vector<16xi32>,
    %sub3A_392 = arith.subi %add3A_386, %add3A_387 : vector<16xi32>
    %swap3A_393 = arith.constant 3 : i32
    %swap3A_394 = arith.index_cast %swap3A_393 : i32 to index
    %swap3A_395 = arith.constant 0 : index
    %swap3A_396 = tpu.vector_load %arg13[%swap3A_394, %swap3A_395] {strides = array<i32>} : memref<16x16xi32, #tpu.memory_space<vmem>>, vector<16xi32>,
    tpu.vector_store %arg13[%swap3A_394, %swap3A_395], %sub3A_392 {strides = array<i32>} : memref<16x16xi32, #tpu.memory_space<vmem>>, vector<16xi32>,
    %get3A_397 = arith.constant 3 : i32
    %get3A_398 = arith.index_cast %get3A_397 : i32 to index
    %get3A_399 = arith.constant 0 : index
    %get3A_400 = tpu.vector_load %arg9[%get3A_398, %get3A_399] {strides = array<i32>} : memref<16x16xi32, #tpu.memory_space<vmem>>, vector<16xi32>,
    %add3A_401 = arith.addi %add3A_386, %get3A_400 : vector<16xi32>
    %add3A_402 = arith.addi %add3A_387, %get3A_400 : vector<16xi32>
    %swap3A_403 = arith.constant 4 : i32
    %swap3A_404 = arith.index_cast %swap3A_403 : i32 to index
    %swap3A_405 = arith.constant 0 : index
    %swap3A_406 = tpu.vector_load %arg12[%swap3A_404, %swap3A_405] {strides = array<i32>} : memref<16x16xi32, #tpu.memory_space<vmem>>, vector<16xi32>,
    tpu.vector_store %arg12[%swap3A_404, %swap3A_405], %add3A_401 {strides = array<i32>} : memref<16x16xi32, #tpu.memory_space<vmem>>, vector<16xi32>,
    %sub3A_407 = arith.subi %add3A_401, %add3A_402 : vector<16xi32>
    %swap3A_408 = arith.constant 4 : i32
    %swap3A_409 = arith.index_cast %swap3A_408 : i32 to index
    %swap3A_410 = arith.constant 0 : index
    %swap3A_411 = tpu.vector_load %arg13[%swap3A_409, %swap3A_410] {strides = array<i32>} : memref<16x16xi32, #tpu.memory_space<vmem>>, vector<16xi32>,
    tpu.vector_store %arg13[%swap3A_409, %swap3A_410], %sub3A_407 {strides = array<i32>} : memref<16x16xi32, #tpu.memory_space<vmem>>, vector<16xi32>,
    %get3A_412 = arith.constant 4 : i32
    %get3A_413 = arith.index_cast %get3A_412 : i32 to index
    %get3A_414 = arith.constant 0 : index
    %get3A_415 = tpu.vector_load %arg9[%get3A_413, %get3A_414] {strides = array<i32>} : memref<16x16xi32, #tpu.memory_space<vmem>>, vector<16xi32>,
    %add3A_416 = arith.addi %add3A_401, %get3A_415 : vector<16xi32>
    %add3A_417 = arith.addi %add3A_402, %get3A_415 : vector<16xi32>
    %swap3A_418 = arith.constant 5 : i32
    %swap3A_419 = arith.index_cast %swap3A_418 : i32 to index
    %swap3A_420 = arith.constant 0 : index
    %swap3A_421 = tpu.vector_load %arg12[%swap3A_419, %swap3A_420] {strides = array<i32>} : memref<16x16xi32, #tpu.memory_space<vmem>>, vector<16xi32>,
    tpu.vector_store %arg12[%swap3A_419, %swap3A_420], %add3A_416 {strides = array<i32>} : memref<16x16xi32, #tpu.memory_space<vmem>>, vector<16xi32>,
    %sub3A_422 = arith.subi %add3A_416, %add3A_417 : vector<16xi32>
    %swap3A_423 = arith.constant 5 : i32
    %swap3A_424 = arith.index_cast %swap3A_423 : i32 to index
    %swap3A_425 = arith.constant 0 : index
    %swap3A_426 = tpu.vector_load %arg13[%swap3A_424, %swap3A_425] {strides = array<i32>} : memref<16x16xi32, #tpu.memory_space<vmem>>, vector<16xi32>,
    tpu.vector_store %arg13[%swap3A_424, %swap3A_425], %sub3A_422 {strides = array<i32>} : memref<16x16xi32, #tpu.memory_space<vmem>>, vector<16xi32>,
    %get3A_427 = arith.constant 5 : i32
    %get3A_428 = arith.index_cast %get3A_427 : i32 to index
    %get3A_429 = arith.constant 0 : index
    %get3A_430 = tpu.vector_load %arg9[%get3A_428, %get3A_429] {strides = array<i32>} : memref<16x16xi32, #tpu.memory_space<vmem>>, vector<16xi32>,
    %add3A_431 = arith.addi %add3A_416, %get3A_430 : vector<16xi32>
    %add3A_432 = arith.addi %add3A_417, %get3A_430 : vector<16xi32>
    %swap3A_433 = arith.constant 6 : i32
    %swap3A_434 = arith.index_cast %swap3A_433 : i32 to index
    %swap3A_435 = arith.constant 0 : index
    %swap3A_436 = tpu.vector_load %arg12[%swap3A_434, %swap3A_435] {strides = array<i32>} : memref<16x16xi32, #tpu.memory_space<vmem>>, vector<16xi32>,
    tpu.vector_store %arg12[%swap3A_434, %swap3A_435], %add3A_431 {strides = array<i32>} : memref<16x16xi32, #tpu.memory_space<vmem>>, vector<16xi32>,
    %sub3A_437 = arith.subi %add3A_431, %add3A_432 : vector<16xi32>
    %swap3A_438 = arith.constant 6 : i32
    %swap3A_439 = arith.index_cast %swap3A_438 : i32 to index
    %swap3A_440 = arith.constant 0 : index
    %swap3A_441 = tpu.vector_load %arg13[%swap3A_439, %swap3A_440] {strides = array<i32>} : memref<16x16xi32, #tpu.memory_space<vmem>>, vector<16xi32>,
    tpu.vector_store %arg13[%swap3A_439, %swap3A_440], %sub3A_437 {strides = array<i32>} : memref<16x16xi32, #tpu.memory_space<vmem>>, vector<16xi32>,
    %get3A_442 = arith.constant 6 : i32
    %get3A_443 = arith.index_cast %get3A_442 : i32 to index
    %get3A_444 = arith.constant 0 : index
    %get3A_445 = tpu.vector_load %arg9[%get3A_443, %get3A_444] {strides = array<i32>} : memref<16x16xi32, #tpu.memory_space<vmem>>, vector<16xi32>,
    %add3A_446 = arith.addi %add3A_431, %get3A_445 : vector<16xi32>
    %add3A_447 = arith.addi %add3A_432, %get3A_445 : vector<16xi32>
    %swap3A_448 = arith.constant 7 : i32
    %swap3A_449 = arith.index_cast %swap3A_448 : i32 to index
    %swap3A_450 = arith.constant 0 : index
    %swap3A_451 = tpu.vector_load %arg12[%swap3A_449, %swap3A_450] {strides = array<i32>} : memref<16x16xi32, #tpu.memory_space<vmem>>, vector<16xi32>,
    tpu.vector_store %arg12[%swap3A_449, %swap3A_450], %add3A_446 {strides = array<i32>} : memref<16x16xi32, #tpu.memory_space<vmem>>, vector<16xi32>,
    %sub3A_452 = arith.subi %add3A_446, %add3A_447 : vector<16xi32>
    %swap3A_453 = arith.constant 7 : i32
    %swap3A_454 = arith.index_cast %swap3A_453 : i32 to index
    %swap3A_455 = arith.constant 0 : index
    %swap3A_456 = tpu.vector_load %arg13[%swap3A_454, %swap3A_455] {strides = array<i32>} : memref<16x16xi32, #tpu.memory_space<vmem>>, vector<16xi32>,
    tpu.vector_store %arg13[%swap3A_454, %swap3A_455], %sub3A_452 {strides = array<i32>} : memref<16x16xi32, #tpu.memory_space<vmem>>, vector<16xi32>,
    %get3A_457 = arith.constant 7 : i32
    %get3A_458 = arith.index_cast %get3A_457 : i32 to index
    %get3A_459 = arith.constant 0 : index
    %get3A_460 = tpu.vector_load %arg9[%get3A_458, %get3A_459] {strides = array<i32>} : memref<16x16xi32, #tpu.memory_space<vmem>>, vector<16xi32>,
    %add3A_461 = arith.addi %add3A_446, %get3A_460 : vector<16xi32>
    %add3A_462 = arith.addi %add3A_447, %get3A_460 : vector<16xi32>
    %swap3A_463 = arith.constant 8 : i32
    %swap3A_464 = arith.index_cast %swap3A_463 : i32 to index
    %swap3A_465 = arith.constant 0 : index
    %swap3A_466 = tpu.vector_load %arg12[%swap3A_464, %swap3A_465] {strides = array<i32>} : memref<16x16xi32, #tpu.memory_space<vmem>>, vector<16xi32>,
    tpu.vector_store %arg12[%swap3A_464, %swap3A_465], %add3A_461 {strides = array<i32>} : memref<16x16xi32, #tpu.memory_space<vmem>>, vector<16xi32>,
    %sub3A_467 = arith.subi %add3A_461, %add3A_462 : vector<16xi32>
    %swap3A_468 = arith.constant 8 : i32
    %swap3A_469 = arith.index_cast %swap3A_468 : i32 to index
    %swap3A_470 = arith.constant 0 : index
    %swap3A_471 = tpu.vector_load %arg13[%swap3A_469, %swap3A_470] {strides = array<i32>} : memref<16x16xi32, #tpu.memory_space<vmem>>, vector<16xi32>,
    tpu.vector_store %arg13[%swap3A_469, %swap3A_470], %sub3A_467 {strides = array<i32>} : memref<16x16xi32, #tpu.memory_space<vmem>>, vector<16xi32>,
    %get3A_472 = arith.constant 8 : i32
    %get3A_473 = arith.index_cast %get3A_472 : i32 to index
    %get3A_474 = arith.constant 0 : index
    %get3A_475 = tpu.vector_load %arg9[%get3A_473, %get3A_474] {strides = array<i32>} : memref<16x16xi32, #tpu.memory_space<vmem>>, vector<16xi32>,
    %add3A_476 = arith.addi %add3A_461, %get3A_475 : vector<16xi32>
    %add3A_477 = arith.addi %add3A_462, %get3A_475 : vector<16xi32>
    %swap3A_478 = arith.constant 9 : i32
    %swap3A_479 = arith.index_cast %swap3A_478 : i32 to index
    %swap3A_480 = arith.constant 0 : index
    %swap3A_481 = tpu.vector_load %arg12[%swap3A_479, %swap3A_480] {strides = array<i32>} : memref<16x16xi32, #tpu.memory_space<vmem>>, vector<16xi32>,
    tpu.vector_store %arg12[%swap3A_479, %swap3A_480], %add3A_476 {strides = array<i32>} : memref<16x16xi32, #tpu.memory_space<vmem>>, vector<16xi32>,
    %sub3A_482 = arith.subi %add3A_476, %add3A_477 : vector<16xi32>
    %swap3A_483 = arith.constant 9 : i32
    %swap3A_484 = arith.index_cast %swap3A_483 : i32 to index
    %swap3A_485 = arith.constant 0 : index
    %swap3A_486 = tpu.vector_load %arg13[%swap3A_484, %swap3A_485] {strides = array<i32>} : memref<16x16xi32, #tpu.memory_space<vmem>>, vector<16xi32>,
    tpu.vector_store %arg13[%swap3A_484, %swap3A_485], %sub3A_482 {strides = array<i32>} : memref<16x16xi32, #tpu.memory_space<vmem>>, vector<16xi32>,
    %get3A_487 = arith.constant 9 : i32
    %get3A_488 = arith.index_cast %get3A_487 : i32 to index
    %get3A_489 = arith.constant 0 : index
    %get3A_490 = tpu.vector_load %arg9[%get3A_488, %get3A_489] {strides = array<i32>} : memref<16x16xi32, #tpu.memory_space<vmem>>, vector<16xi32>,
    %add3A_491 = arith.addi %add3A_476, %get3A_490 : vector<16xi32>
    %add3A_492 = arith.addi %add3A_477, %get3A_490 : vector<16xi32>
    %swap3A_493 = arith.constant 10 : i32
    %swap3A_494 = arith.index_cast %swap3A_493 : i32 to index
    %swap3A_495 = arith.constant 0 : index
    %swap3A_496 = tpu.vector_load %arg12[%swap3A_494, %swap3A_495] {strides = array<i32>} : memref<16x16xi32, #tpu.memory_space<vmem>>, vector<16xi32>,
    tpu.vector_store %arg12[%swap3A_494, %swap3A_495], %add3A_491 {strides = array<i32>} : memref<16x16xi32, #tpu.memory_space<vmem>>, vector<16xi32>,
    %sub3A_497 = arith.subi %add3A_491, %add3A_492 : vector<16xi32>
    %swap3A_498 = arith.constant 10 : i32
    %swap3A_499 = arith.index_cast %swap3A_498 : i32 to index
    %swap3A_500 = arith.constant 0 : index
    %swap3A_501 = tpu.vector_load %arg13[%swap3A_499, %swap3A_500] {strides = array<i32>} : memref<16x16xi32, #tpu.memory_space<vmem>>, vector<16xi32>,
    tpu.vector_store %arg13[%swap3A_499, %swap3A_500], %sub3A_497 {strides = array<i32>} : memref<16x16xi32, #tpu.memory_space<vmem>>, vector<16xi32>,
    %get3A_502 = arith.constant 10 : i32
    %get3A_503 = arith.index_cast %get3A_502 : i32 to index
    %get3A_504 = arith.constant 0 : index
    %get3A_505 = tpu.vector_load %arg9[%get3A_503, %get3A_504] {strides = array<i32>} : memref<16x16xi32, #tpu.memory_space<vmem>>, vector<16xi32>,
    %add3A_506 = arith.addi %add3A_491, %get3A_505 : vector<16xi32>
    %add3A_507 = arith.addi %add3A_492, %get3A_505 : vector<16xi32>
    %swap3A_508 = arith.constant 11 : i32
    %swap3A_509 = arith.index_cast %swap3A_508 : i32 to index
    %swap3A_510 = arith.constant 0 : index
    %swap3A_511 = tpu.vector_load %arg12[%swap3A_509, %swap3A_510] {strides = array<i32>} : memref<16x16xi32, #tpu.memory_space<vmem>>, vector<16xi32>,
    tpu.vector_store %arg12[%swap3A_509, %swap3A_510], %add3A_506 {strides = array<i32>} : memref<16x16xi32, #tpu.memory_space<vmem>>, vector<16xi32>,
    %sub3A_512 = arith.subi %add3A_506, %add3A_507 : vector<16xi32>
    %swap3A_513 = arith.constant 11 : i32
    %swap3A_514 = arith.index_cast %swap3A_513 : i32 to index
    %swap3A_515 = arith.constant 0 : index
    %swap3A_516 = tpu.vector_load %arg13[%swap3A_514, %swap3A_515] {strides = array<i32>} : memref<16x16xi32, #tpu.memory_space<vmem>>, vector<16xi32>,
    tpu.vector_store %arg13[%swap3A_514, %swap3A_515], %sub3A_512 {strides = array<i32>} : memref<16x16xi32, #tpu.memory_space<vmem>>, vector<16xi32>,
    %get3A_517 = arith.constant 11 : i32
    %get3A_518 = arith.index_cast %get3A_517 : i32 to index
    %get3A_519 = arith.constant 0 : index
    %get3A_520 = tpu.vector_load %arg9[%get3A_518, %get3A_519] {strides = array<i32>} : memref<16x16xi32, #tpu.memory_space<vmem>>, vector<16xi32>,
    %add3A_521 = arith.addi %add3A_506, %get3A_520 : vector<16xi32>
    %add3A_522 = arith.addi %add3A_507, %get3A_520 : vector<16xi32>
    %swap3A_523 = arith.constant 12 : i32
    %swap3A_524 = arith.index_cast %swap3A_523 : i32 to index
    %swap3A_525 = arith.constant 0 : index
    %swap3A_526 = tpu.vector_load %arg12[%swap3A_524, %swap3A_525] {strides = array<i32>} : memref<16x16xi32, #tpu.memory_space<vmem>>, vector<16xi32>,
    tpu.vector_store %arg12[%swap3A_524, %swap3A_525], %add3A_521 {strides = array<i32>} : memref<16x16xi32, #tpu.memory_space<vmem>>, vector<16xi32>,
    %sub3A_527 = arith.subi %add3A_521, %add3A_522 : vector<16xi32>
    %swap3A_528 = arith.constant 12 : i32
    %swap3A_529 = arith.index_cast %swap3A_528 : i32 to index
    %swap3A_530 = arith.constant 0 : index
    %swap3A_531 = tpu.vector_load %arg13[%swap3A_529, %swap3A_530] {strides = array<i32>} : memref<16x16xi32, #tpu.memory_space<vmem>>, vector<16xi32>,
    tpu.vector_store %arg13[%swap3A_529, %swap3A_530], %sub3A_527 {strides = array<i32>} : memref<16x16xi32, #tpu.memory_space<vmem>>, vector<16xi32>,
    %get3A_532 = arith.constant 12 : i32
    %get3A_533 = arith.index_cast %get3A_532 : i32 to index
    %get3A_534 = arith.constant 0 : index
    %get3A_535 = tpu.vector_load %arg9[%get3A_533, %get3A_534] {strides = array<i32>} : memref<16x16xi32, #tpu.memory_space<vmem>>, vector<16xi32>,
    %add3A_536 = arith.addi %add3A_521, %get3A_535 : vector<16xi32>
    %add3A_537 = arith.addi %add3A_522, %get3A_535 : vector<16xi32>
    %swap3A_538 = arith.constant 13 : i32
    %swap3A_539 = arith.index_cast %swap3A_538 : i32 to index
    %swap3A_540 = arith.constant 0 : index
    %swap3A_541 = tpu.vector_load %arg12[%swap3A_539, %swap3A_540] {strides = array<i32>} : memref<16x16xi32, #tpu.memory_space<vmem>>, vector<16xi32>,
    tpu.vector_store %arg12[%swap3A_539, %swap3A_540], %add3A_536 {strides = array<i32>} : memref<16x16xi32, #tpu.memory_space<vmem>>, vector<16xi32>,
    %sub3A_542 = arith.subi %add3A_536, %add3A_537 : vector<16xi32>
    %swap3A_543 = arith.constant 13 : i32
    %swap3A_544 = arith.index_cast %swap3A_543 : i32 to index
    %swap3A_545 = arith.constant 0 : index
    %swap3A_546 = tpu.vector_load %arg13[%swap3A_544, %swap3A_545] {strides = array<i32>} : memref<16x16xi32, #tpu.memory_space<vmem>>, vector<16xi32>,
    tpu.vector_store %arg13[%swap3A_544, %swap3A_545], %sub3A_542 {strides = array<i32>} : memref<16x16xi32, #tpu.memory_space<vmem>>, vector<16xi32>,
    %get3A_547 = arith.constant 13 : i32
    %get3A_548 = arith.index_cast %get3A_547 : i32 to index
    %get3A_549 = arith.constant 0 : index
    %get3A_550 = tpu.vector_load %arg9[%get3A_548, %get3A_549] {strides = array<i32>} : memref<16x16xi32, #tpu.memory_space<vmem>>, vector<16xi32>,
    %add3A_551 = arith.addi %add3A_536, %get3A_550 : vector<16xi32>
    %add3A_552 = arith.addi %add3A_537, %get3A_550 : vector<16xi32>
    %swap3A_553 = arith.constant 14 : i32
    %swap3A_554 = arith.index_cast %swap3A_553 : i32 to index
    %swap3A_555 = arith.constant 0 : index
    %swap3A_556 = tpu.vector_load %arg12[%swap3A_554, %swap3A_555] {strides = array<i32>} : memref<16x16xi32, #tpu.memory_space<vmem>>, vector<16xi32>,
    tpu.vector_store %arg12[%swap3A_554, %swap3A_555], %add3A_551 {strides = array<i32>} : memref<16x16xi32, #tpu.memory_space<vmem>>, vector<16xi32>,
    %sub3A_557 = arith.subi %add3A_551, %add3A_552 : vector<16xi32>
    %swap3A_558 = arith.constant 14 : i32
    %swap3A_559 = arith.index_cast %swap3A_558 : i32 to index
    %swap3A_560 = arith.constant 0 : index
    %swap3A_561 = tpu.vector_load %arg13[%swap3A_559, %swap3A_560] {strides = array<i32>} : memref<16x16xi32, #tpu.memory_space<vmem>>, vector<16xi32>,
    tpu.vector_store %arg13[%swap3A_559, %swap3A_560], %sub3A_557 {strides = array<i32>} : memref<16x16xi32, #tpu.memory_space<vmem>>, vector<16xi32>,
    %get3A_562 = arith.constant 14 : i32
    %get3A_563 = arith.index_cast %get3A_562 : i32 to index
    %get3A_564 = arith.constant 0 : index
    %get3A_565 = tpu.vector_load %arg9[%get3A_563, %get3A_564] {strides = array<i32>} : memref<16x16xi32, #tpu.memory_space<vmem>>, vector<16xi32>,
    %add3A_566 = arith.addi %add3A_551, %get3A_565 : vector<16xi32>
    %add3A_567 = arith.addi %add3A_552, %get3A_565 : vector<16xi32>
    %swap3A_568 = arith.constant 15 : i32
    %swap3A_569 = arith.index_cast %swap3A_568 : i32 to index
    %swap3A_570 = arith.constant 0 : index
    %swap3A_571 = tpu.vector_load %arg12[%swap3A_569, %swap3A_570] {strides = array<i32>} : memref<16x16xi32, #tpu.memory_space<vmem>>, vector<16xi32>,
    tpu.vector_store %arg12[%swap3A_569, %swap3A_570], %add3A_566 {strides = array<i32>} : memref<16x16xi32, #tpu.memory_space<vmem>>, vector<16xi32>,
    %sub3A_572 = arith.subi %add3A_566, %add3A_567 : vector<16xi32>
    %swap3A_573 = arith.constant 15 : i32
    %swap3A_574 = arith.index_cast %swap3A_573 : i32 to index
    %swap3A_575 = arith.constant 0 : index
    %swap3A_576 = tpu.vector_load %arg13[%swap3A_574, %swap3A_575] {strides = array<i32>} : memref<16x16xi32, #tpu.memory_space<vmem>>, vector<16xi32>,
    tpu.vector_store %arg13[%swap3A_574, %swap3A_575], %sub3A_572 {strides = array<i32>} : memref<16x16xi32, #tpu.memory_space<vmem>>, vector<16xi32>,
    %get3A_577 = arith.constant 15 : i32
    %get3A_578 = arith.index_cast %get3A_577 : i32 to index
    %get3A_579 = arith.constant 0 : index
    %get3A_580 = tpu.vector_load %arg9[%get3A_578, %get3A_579] {strides = array<i32>} : memref<16x16xi32, #tpu.memory_space<vmem>>, vector<16xi32>,
    %add3A_581 = arith.addi %add3A_566, %get3A_580 : vector<16xi32>
    %add3A_582 = arith.addi %add3A_567, %get3A_580 : vector<16xi32>
    %eq3A = arith.constant 0 : i32
    %eq3A_583 = arith.cmpi eq, %arg0, %eq3A : i32
    %eq3A_584 = arith.constant 0 : i32
    %eq3A_585 = arith.cmpi eq, %arg1, %eq3A_584 : i32
    %and3A = arith.andi %eq3A_583, %eq3A_585 : i1
    %convert_element_type3A = arith.extui %and3A : i1 to i32
    %cond3A = arith.constant 0 : i32
    %cond3A_586 = arith.cmpi ne, %convert_element_type3A, %cond3A : i32
    scf.if %cond3A_586 {
      %convert_element_type3A_1242 = arith.sitofp %add3A_329 : vector<16xi32> to vector<16xf32>
      %swap3A_1243 = arith.constant 0 : index
      %swap3A_1244 = tpu.vector_load %arg17[%swap3A_1243] {strides = array<i32>} : memref<16xf32, #tpu.memory_space<vmem>>, vector<16xf32>,
      tpu.vector_store %arg17[%swap3A_1243], %convert_element_type3A_1242 {strides = array<i32>} : memref<16xf32, #tpu.memory_space<vmem>>, vector<16xf32>,
      "tpu.region"() ({
        %run_scoped3A = tpu.sem_alloc : memref<!tpu.dma_semaphore, #tpu.memory_space<semaphore_mem>>
        tpu.enqueue_dma source(%arg17 : memref<16xf32, #tpu.memory_space<vmem>>) target(%arg6 : memref<16xf32, #tpu.memory_space<hbm>>) target_semaphore(%run_scoped3A : memref<!tpu.dma_semaphore, #tpu.memory_space<semaphore_mem>>)
        tpu.wait_dma2 semaphore(%run_scoped3A : memref<!tpu.dma_semaphore, #tpu.memory_space<semaphore_mem>>) src(%arg17 : memref<16xf32, #tpu.memory_space<vmem>>) dst(%arg6 : memref<16xf32, #tpu.memory_space<hbm>>)
        tpu.yield
      }) : () -> ()
    } else {
    }
    %scan3A_587 = arith.constant 0 : i32
    %scan3A_588 = arith.constant 0 : i32
    %scan3A_589 = arith.constant 64 : i32
    %scan3A_590 = arith.addi %scan3A_588, %scan3A_589 : i32
    %scan3A_591 = arith.constant 1 : i32
    scf.for %scan3A_1242 = %scan3A_588 to %scan3A_590 step %scan3A_591  : i32 {
      %mul3A_1243 = arith.constant 2 : i32
      %mul3A_1244 = arith.muli %scan3A_1242, %mul3A_1243 : i32
      %add3A_1245 = arith.constant 0 : i32
      %add3A_1246 = arith.addi %mul3A_1244, %add3A_1245 : i32
      %add3A_1247 = vector.broadcast %add3A_1246 : i32 to vector<16xi32>
      %add3A_1248 = arith.addi %mul3A_71, %add3A_1247 : vector<16xi32>
      %shift_right_arithmetic3A = arith.constant 7 : i32
      %shift_right_arithmetic3A_1249 = vector.broadcast %shift_right_arithmetic3A : i32 to vector<16xi32>
      %shift_right_arithmetic3A_1250 = arith.shrsi %add3A_1248, %shift_right_arithmetic3A_1249 : vector<16xi32>
      %and3A_1251 = arith.constant 127 : i32
      %and3A_1252 = vector.broadcast %and3A_1251 : i32 to vector<16xi32>
      %and3A_1253 = arith.andi %add3A_1248, %and3A_1252 : vector<16xi32>
      %gather3A = tpu.vector_load_idx %arg7[%shift_right_arithmetic3A_1250, %and3A_1253] : memref<16x128xi32, #tpu.memory_space<vmem>>[vector<16xi32>, vector<16xi32>], vector<16xi32>,
      %gather3A_1254 = tpu.vector_load_idx %arg12[%iota3A, %gather3A] : memref<16x16xi32, #tpu.memory_space<vmem>>[vector<16xi32>, vector<16xi32>], vector<16xi32>,
      %gather3A_1255 = tpu.vector_load_idx %arg13[%iota3A, %gather3A] : memref<16x16xi32, #tpu.memory_space<vmem>>[vector<16xi32>, vector<16xi32>], vector<16xi32>,
      %sub3A_1256 = arith.subi %gather3A_1254, %gather3A_1255 : vector<16xi32>
      %shift_right_arithmetic3A_1257 = arith.constant 7 : i32
      %shift_right_arithmetic3A_1258 = vector.broadcast %shift_right_arithmetic3A_1257 : i32 to vector<16xi32>
      %shift_right_arithmetic3A_1259 = arith.shrsi %add3A_1248, %shift_right_arithmetic3A_1258 : vector<16xi32>
      %and3A_1260 = arith.constant 127 : i32
      %and3A_1261 = vector.broadcast %and3A_1260 : i32 to vector<16xi32>
      %and3A_1262 = arith.andi %add3A_1248, %and3A_1261 : vector<16xi32>
      %gather3A_1263 = tpu.vector_load_idx %arg8[%shift_right_arithmetic3A_1259, %and3A_1262] : memref<16x128xf32, #tpu.memory_space<vmem>>[vector<16xi32>, vector<16xi32>], vector<16xf32>,
      %shift_right_arithmetic3A_1264 = arith.constant 7 : i32
      %shift_right_arithmetic3A_1265 = vector.broadcast %shift_right_arithmetic3A_1264 : i32 to vector<16xi32>
      %shift_right_arithmetic3A_1266 = arith.shrsi %sub3A_1256, %shift_right_arithmetic3A_1265 : vector<16xi32>
      %and3A_1267 = arith.constant 127 : i32
      %and3A_1268 = vector.broadcast %and3A_1267 : i32 to vector<16xi32>
      %and3A_1269 = arith.andi %sub3A_1256, %and3A_1268 : vector<16xi32>
      %add3A_1270 = vector.broadcast %mul3A_0 : i32 to vector<16xi32>
      %add3A_1271 = arith.addi %add3A_1270, %add3A_1248 : vector<16xi32>
      tpu.vector_store_idx %arg14[%shift_right_arithmetic3A_1266, %and3A_1269], %add3A_1271 : memref<16x128xi32, #tpu.memory_space<vmem>>[vector<16xi32>, vector<16xi32>], vector<16xi32>,
      tpu.vector_store_idx %arg15[%shift_right_arithmetic3A_1266, %and3A_1269], %gather3A_1254 : memref<16x128xi32, #tpu.memory_space<vmem>>[vector<16xi32>, vector<16xi32>], vector<16xi32>,
      tpu.vector_store_idx %arg16[%shift_right_arithmetic3A_1266, %and3A_1269], %gather3A_1263 : memref<16x128xf32, #tpu.memory_space<vmem>>[vector<16xi32>, vector<16xi32>], vector<16xf32>,
      tpu.vector_store_idx %arg12[%iota3A, %gather3A], %broadcast_in_dim3A_5 {add = true} : memref<16x16xi32, #tpu.memory_space<vmem>>[vector<16xi32>, vector<16xi32>], vector<16xi32>,
      %mul3A_1272 = arith.constant 2 : i32
      %mul3A_1273 = arith.muli %scan3A_1242, %mul3A_1272 : i32
      %add3A_1274 = arith.constant 1 : i32
      %add3A_1275 = arith.addi %mul3A_1273, %add3A_1274 : i32
      %add3A_1276 = vector.broadcast %add3A_1275 : i32 to vector<16xi32>
      %add3A_1277 = arith.addi %mul3A_71, %add3A_1276 : vector<16xi32>
      %shift_right_arithmetic3A_1278 = arith.constant 7 : i32
      %shift_right_arithmetic3A_1279 = vector.broadcast %shift_right_arithmetic3A_1278 : i32 to vector<16xi32>
      %shift_right_arithmetic3A_1280 = arith.shrsi %add3A_1277, %shift_right_arithmetic3A_1279 : vector<16xi32>
      %and3A_1281 = arith.constant 127 : i32
      %and3A_1282 = vector.broadcast %and3A_1281 : i32 to vector<16xi32>
      %and3A_1283 = arith.andi %add3A_1277, %and3A_1282 : vector<16xi32>
      %gather3A_1284 = tpu.vector_load_idx %arg7[%shift_right_arithmetic3A_1280, %and3A_1283] : memref<16x128xi32, #tpu.memory_space<vmem>>[vector<16xi32>, vector<16xi32>], vector<16xi32>,
      %gather3A_1285 = tpu.vector_load_idx %arg12[%iota3A, %gather3A_1284] : memref<16x16xi32, #tpu.memory_space<vmem>>[vector<16xi32>, vector<16xi32>], vector<16xi32>,
      %gather3A_1286 = tpu.vector_load_idx %arg13[%iota3A, %gather3A_1284] : memref<16x16xi32, #tpu.memory_space<vmem>>[vector<16xi32>, vector<16xi32>], vector<16xi32>,
      %sub3A_1287 = arith.subi %gather3A_1285, %gather3A_1286 : vector<16xi32>
      %shift_right_arithmetic3A_1288 = arith.constant 7 : i32
      %shift_right_arithmetic3A_1289 = vector.broadcast %shift_right_arithmetic3A_1288 : i32 to vector<16xi32>
      %shift_right_arithmetic3A_1290 = arith.shrsi %add3A_1277, %shift_right_arithmetic3A_1289 : vector<16xi32>
      %and3A_1291 = arith.constant 127 : i32
      %and3A_1292 = vector.broadcast %and3A_1291 : i32 to vector<16xi32>
      %and3A_1293 = arith.andi %add3A_1277, %and3A_1292 : vector<16xi32>
      %gather3A_1294 = tpu.vector_load_idx %arg8[%shift_right_arithmetic3A_1290, %and3A_1293] : memref<16x128xf32, #tpu.memory_space<vmem>>[vector<16xi32>, vector<16xi32>], vector<16xf32>,
      %shift_right_arithmetic3A_1295 = arith.constant 7 : i32
      %shift_right_arithmetic3A_1296 = vector.broadcast %shift_right_arithmetic3A_1295 : i32 to vector<16xi32>
      %shift_right_arithmetic3A_1297 = arith.shrsi %sub3A_1287, %shift_right_arithmetic3A_1296 : vector<16xi32>
      %and3A_1298 = arith.constant 127 : i32
      %and3A_1299 = vector.broadcast %and3A_1298 : i32 to vector<16xi32>
      %and3A_1300 = arith.andi %sub3A_1287, %and3A_1299 : vector<16xi32>
      %add3A_1301 = vector.broadcast %mul3A_0 : i32 to vector<16xi32>
      %add3A_1302 = arith.addi %add3A_1301, %add3A_1277 : vector<16xi32>
      tpu.vector_store_idx %arg14[%shift_right_arithmetic3A_1297, %and3A_1300], %add3A_1302 : memref<16x128xi32, #tpu.memory_space<vmem>>[vector<16xi32>, vector<16xi32>], vector<16xi32>,
      tpu.vector_store_idx %arg15[%shift_right_arithmetic3A_1297, %and3A_1300], %gather3A_1285 : memref<16x128xi32, #tpu.memory_space<vmem>>[vector<16xi32>, vector<16xi32>], vector<16xi32>,
      tpu.vector_store_idx %arg16[%shift_right_arithmetic3A_1297, %and3A_1300], %gather3A_1294 : memref<16x128xf32, #tpu.memory_space<vmem>>[vector<16xi32>, vector<16xi32>], vector<16xf32>,
      tpu.vector_store_idx %arg12[%iota3A, %gather3A_1284], %broadcast_in_dim3A_5 {add = true} : memref<16x16xi32, #tpu.memory_space<vmem>>[vector<16xi32>, vector<16xi32>], vector<16xi32>,
    }
    %scan3A_592 = arith.constant 64 : i32
    %dma_start3A = arith.constant 0 : i32
    %dma_start3A_593 = arith.constant 0 : i32
    %dma_start3A_594 = arith.constant 0 : i32
    %dma_start3A_595 = tpu.memref_slice %arg14[%dma_start3A, %dma_start3A_594] : memref<16x128xi32, #tpu.memory_space<vmem>> -> memref<1x128xi32, #tpu.memory_space<vmem>>
    %dma_start3A_596 = tpu.memref_squeeze %dma_start3A_595 : memref<1x128xi32, #tpu.memory_space<vmem>> -> memref<128xi32, #tpu.memory_space<vmem>>
    %dma_start3A_597 = arith.constant 0 : i32
    %dma_start3A_598 = tpu.memref_slice %arg15[%dma_start3A_593, %dma_start3A_597] : memref<16x128xi32, #tpu.memory_space<vmem>> -> memref<1x128xi32, #tpu.memory_space<vmem>>
    %dma_start3A_599 = tpu.memref_squeeze %dma_start3A_598 : memref<1x128xi32, #tpu.memory_space<vmem>> -> memref<128xi32, #tpu.memory_space<vmem>>
    %dma_start3A_600 = arith.constant 0 : i32
    %dma_start3A_601 = tpu.memref_slice %arg21[%dma_start3A_600] : memref<32768xi32, #tpu.memory_space<vmem_shared>> -> memref<32768xi32, #tpu.memory_space<vmem_shared>>
    tpu.enqueue_indirect_dma source(%dma_start3A_596 : memref<128xi32, #tpu.memory_space<vmem>>) target(%dma_start3A_601 : memref<32768xi32, #tpu.memory_space<vmem_shared>>) offsets(%dma_start3A_599 : memref<128xi32, #tpu.memory_space<vmem>>) semaphore(%arg23 : memref<!tpu.dma_semaphore, #tpu.memory_space<semaphore_mem>>)
    %dma_start3A_602 = arith.constant 0 : i32
    %dma_start3A_603 = arith.constant 0 : i32
    %dma_start3A_604 = arith.constant 0 : i32
    %dma_start3A_605 = tpu.memref_slice %arg16[%dma_start3A_602, %dma_start3A_604] : memref<16x128xf32, #tpu.memory_space<vmem>> -> memref<1x128xf32, #tpu.memory_space<vmem>>
    %dma_start3A_606 = tpu.memref_squeeze %dma_start3A_605 : memref<1x128xf32, #tpu.memory_space<vmem>> -> memref<128xf32, #tpu.memory_space<vmem>>
    %dma_start3A_607 = arith.constant 0 : i32
    %dma_start3A_608 = tpu.memref_slice %arg15[%dma_start3A_603, %dma_start3A_607] : memref<16x128xi32, #tpu.memory_space<vmem>> -> memref<1x128xi32, #tpu.memory_space<vmem>>
    %dma_start3A_609 = tpu.memref_squeeze %dma_start3A_608 : memref<1x128xi32, #tpu.memory_space<vmem>> -> memref<128xi32, #tpu.memory_space<vmem>>
    %dma_start3A_610 = arith.constant 0 : i32
    %dma_start3A_611 = tpu.memref_slice %arg22[%dma_start3A_610] : memref<32768xf32, #tpu.memory_space<vmem_shared>> -> memref<32768xf32, #tpu.memory_space<vmem_shared>>
    tpu.enqueue_indirect_dma source(%dma_start3A_606 : memref<128xf32, #tpu.memory_space<vmem>>) target(%dma_start3A_611 : memref<32768xf32, #tpu.memory_space<vmem_shared>>) offsets(%dma_start3A_609 : memref<128xi32, #tpu.memory_space<vmem>>) semaphore(%arg23 : memref<!tpu.dma_semaphore, #tpu.memory_space<semaphore_mem>>)
    %dma_start3A_612 = arith.constant 1 : i32
    %dma_start3A_613 = arith.constant 1 : i32
    %dma_start3A_614 = arith.constant 0 : i32
    %dma_start3A_615 = tpu.memref_slice %arg14[%dma_start3A_612, %dma_start3A_614] : memref<16x128xi32, #tpu.memory_space<vmem>> -> memref<1x128xi32, #tpu.memory_space<vmem>>
    %dma_start3A_616 = tpu.memref_squeeze %dma_start3A_615 : memref<1x128xi32, #tpu.memory_space<vmem>> -> memref<128xi32, #tpu.memory_space<vmem>>
    %dma_start3A_617 = arith.constant 0 : i32
    %dma_start3A_618 = tpu.memref_slice %arg15[%dma_start3A_613, %dma_start3A_617] : memref<16x128xi32, #tpu.memory_space<vmem>> -> memref<1x128xi32, #tpu.memory_space<vmem>>
    %dma_start3A_619 = tpu.memref_squeeze %dma_start3A_618 : memref<1x128xi32, #tpu.memory_space<vmem>> -> memref<128xi32, #tpu.memory_space<vmem>>
    %dma_start3A_620 = arith.constant 0 : i32
    %dma_start3A_621 = tpu.memref_slice %arg21[%dma_start3A_620] : memref<32768xi32, #tpu.memory_space<vmem_shared>> -> memref<32768xi32, #tpu.memory_space<vmem_shared>>
    tpu.enqueue_indirect_dma source(%dma_start3A_616 : memref<128xi32, #tpu.memory_space<vmem>>) target(%dma_start3A_621 : memref<32768xi32, #tpu.memory_space<vmem_shared>>) offsets(%dma_start3A_619 : memref<128xi32, #tpu.memory_space<vmem>>) semaphore(%arg23 : memref<!tpu.dma_semaphore, #tpu.memory_space<semaphore_mem>>)
    %dma_start3A_622 = arith.constant 1 : i32
    %dma_start3A_623 = arith.constant 1 : i32
    %dma_start3A_624 = arith.constant 0 : i32
    %dma_start3A_625 = tpu.memref_slice %arg16[%dma_start3A_622, %dma_start3A_624] : memref<16x128xf32, #tpu.memory_space<vmem>> -> memref<1x128xf32, #tpu.memory_space<vmem>>
    %dma_start3A_626 = tpu.memref_squeeze %dma_start3A_625 : memref<1x128xf32, #tpu.memory_space<vmem>> -> memref<128xf32, #tpu.memory_space<vmem>>
    %dma_start3A_627 = arith.constant 0 : i32
    %dma_start3A_628 = tpu.memref_slice %arg15[%dma_start3A_623, %dma_start3A_627] : memref<16x128xi32, #tpu.memory_space<vmem>> -> memref<1x128xi32, #tpu.memory_space<vmem>>
    %dma_start3A_629 = tpu.memref_squeeze %dma_start3A_628 : memref<1x128xi32, #tpu.memory_space<vmem>> -> memref<128xi32, #tpu.memory_space<vmem>>
    %dma_start3A_630 = arith.constant 0 : i32
    %dma_start3A_631 = tpu.memref_slice %arg22[%dma_start3A_630] : memref<32768xf32, #tpu.memory_space<vmem_shared>> -> memref<32768xf32, #tpu.memory_space<vmem_shared>>
    tpu.enqueue_indirect_dma source(%dma_start3A_626 : memref<128xf32, #tpu.memory_space<vmem>>) target(%dma_start3A_631 : memref<32768xf32, #tpu.memory_space<vmem_shared>>) offsets(%dma_start3A_629 : memref<128xi32, #tpu.memory_space<vmem>>) semaphore(%arg23 : memref<!tpu.dma_semaphore, #tpu.memory_space<semaphore_mem>>)
    %dma_start3A_632 = arith.constant 2 : i32
    %dma_start3A_633 = arith.constant 2 : i32
    %dma_start3A_634 = arith.constant 0 : i32
    %dma_start3A_635 = tpu.memref_slice %arg14[%dma_start3A_632, %dma_start3A_634] : memref<16x128xi32, #tpu.memory_space<vmem>> -> memref<1x128xi32, #tpu.memory_space<vmem>>
    %dma_start3A_636 = tpu.memref_squeeze %dma_start3A_635 : memref<1x128xi32, #tpu.memory_space<vmem>> -> memref<128xi32, #tpu.memory_space<vmem>>
    %dma_start3A_637 = arith.constant 0 : i32
    %dma_start3A_638 = tpu.memref_slice %arg15[%dma_start3A_633, %dma_start3A_637] : memref<16x128xi32, #tpu.memory_space<vmem>> -> memref<1x128xi32, #tpu.memory_space<vmem>>
    %dma_start3A_639 = tpu.memref_squeeze %dma_start3A_638 : memref<1x128xi32, #tpu.memory_space<vmem>> -> memref<128xi32, #tpu.memory_space<vmem>>
    %dma_start3A_640 = arith.constant 0 : i32
    %dma_start3A_641 = tpu.memref_slice %arg21[%dma_start3A_640] : memref<32768xi32, #tpu.memory_space<vmem_shared>> -> memref<32768xi32, #tpu.memory_space<vmem_shared>>
    tpu.enqueue_indirect_dma source(%dma_start3A_636 : memref<128xi32, #tpu.memory_space<vmem>>) target(%dma_start3A_641 : memref<32768xi32, #tpu.memory_space<vmem_shared>>) offsets(%dma_start3A_639 : memref<128xi32, #tpu.memory_space<vmem>>) semaphore(%arg23 : memref<!tpu.dma_semaphore, #tpu.memory_space<semaphore_mem>>)
    %dma_start3A_642 = arith.constant 2 : i32
    %dma_start3A_643 = arith.constant 2 : i32
    %dma_start3A_644 = arith.constant 0 : i32
    %dma_start3A_645 = tpu.memref_slice %arg16[%dma_start3A_642, %dma_start3A_644] : memref<16x128xf32, #tpu.memory_space<vmem>> -> memref<1x128xf32, #tpu.memory_space<vmem>>
    %dma_start3A_646 = tpu.memref_squeeze %dma_start3A_645 : memref<1x128xf32, #tpu.memory_space<vmem>> -> memref<128xf32, #tpu.memory_space<vmem>>
    %dma_start3A_647 = arith.constant 0 : i32
    %dma_start3A_648 = tpu.memref_slice %arg15[%dma_start3A_643, %dma_start3A_647] : memref<16x128xi32, #tpu.memory_space<vmem>> -> memref<1x128xi32, #tpu.memory_space<vmem>>
    %dma_start3A_649 = tpu.memref_squeeze %dma_start3A_648 : memref<1x128xi32, #tpu.memory_space<vmem>> -> memref<128xi32, #tpu.memory_space<vmem>>
    %dma_start3A_650 = arith.constant 0 : i32
    %dma_start3A_651 = tpu.memref_slice %arg22[%dma_start3A_650] : memref<32768xf32, #tpu.memory_space<vmem_shared>> -> memref<32768xf32, #tpu.memory_space<vmem_shared>>
    tpu.enqueue_indirect_dma source(%dma_start3A_646 : memref<128xf32, #tpu.memory_space<vmem>>) target(%dma_start3A_651 : memref<32768xf32, #tpu.memory_space<vmem_shared>>) offsets(%dma_start3A_649 : memref<128xi32, #tpu.memory_space<vmem>>) semaphore(%arg23 : memref<!tpu.dma_semaphore, #tpu.memory_space<semaphore_mem>>)
    %dma_start3A_652 = arith.constant 3 : i32
    %dma_start3A_653 = arith.constant 3 : i32
    %dma_start3A_654 = arith.constant 0 : i32
    %dma_start3A_655 = tpu.memref_slice %arg14[%dma_start3A_652, %dma_start3A_654] : memref<16x128xi32, #tpu.memory_space<vmem>> -> memref<1x128xi32, #tpu.memory_space<vmem>>
    %dma_start3A_656 = tpu.memref_squeeze %dma_start3A_655 : memref<1x128xi32, #tpu.memory_space<vmem>> -> memref<128xi32, #tpu.memory_space<vmem>>
    %dma_start3A_657 = arith.constant 0 : i32
    %dma_start3A_658 = tpu.memref_slice %arg15[%dma_start3A_653, %dma_start3A_657] : memref<16x128xi32, #tpu.memory_space<vmem>> -> memref<1x128xi32, #tpu.memory_space<vmem>>
    %dma_start3A_659 = tpu.memref_squeeze %dma_start3A_658 : memref<1x128xi32, #tpu.memory_space<vmem>> -> memref<128xi32, #tpu.memory_space<vmem>>
    %dma_start3A_660 = arith.constant 0 : i32
    %dma_start3A_661 = tpu.memref_slice %arg21[%dma_start3A_660] : memref<32768xi32, #tpu.memory_space<vmem_shared>> -> memref<32768xi32, #tpu.memory_space<vmem_shared>>
    tpu.enqueue_indirect_dma source(%dma_start3A_656 : memref<128xi32, #tpu.memory_space<vmem>>) target(%dma_start3A_661 : memref<32768xi32, #tpu.memory_space<vmem_shared>>) offsets(%dma_start3A_659 : memref<128xi32, #tpu.memory_space<vmem>>) semaphore(%arg23 : memref<!tpu.dma_semaphore, #tpu.memory_space<semaphore_mem>>)
    %dma_start3A_662 = arith.constant 3 : i32
    %dma_start3A_663 = arith.constant 3 : i32
    %dma_start3A_664 = arith.constant 0 : i32
    %dma_start3A_665 = tpu.memref_slice %arg16[%dma_start3A_662, %dma_start3A_664] : memref<16x128xf32, #tpu.memory_space<vmem>> -> memref<1x128xf32, #tpu.memory_space<vmem>>
    %dma_start3A_666 = tpu.memref_squeeze %dma_start3A_665 : memref<1x128xf32, #tpu.memory_space<vmem>> -> memref<128xf32, #tpu.memory_space<vmem>>
    %dma_start3A_667 = arith.constant 0 : i32
    %dma_start3A_668 = tpu.memref_slice %arg15[%dma_start3A_663, %dma_start3A_667] : memref<16x128xi32, #tpu.memory_space<vmem>> -> memref<1x128xi32, #tpu.memory_space<vmem>>
    %dma_start3A_669 = tpu.memref_squeeze %dma_start3A_668 : memref<1x128xi32, #tpu.memory_space<vmem>> -> memref<128xi32, #tpu.memory_space<vmem>>
    %dma_start3A_670 = arith.constant 0 : i32
    %dma_start3A_671 = tpu.memref_slice %arg22[%dma_start3A_670] : memref<32768xf32, #tpu.memory_space<vmem_shared>> -> memref<32768xf32, #tpu.memory_space<vmem_shared>>
    tpu.enqueue_indirect_dma source(%dma_start3A_666 : memref<128xf32, #tpu.memory_space<vmem>>) target(%dma_start3A_671 : memref<32768xf32, #tpu.memory_space<vmem_shared>>) offsets(%dma_start3A_669 : memref<128xi32, #tpu.memory_space<vmem>>) semaphore(%arg23 : memref<!tpu.dma_semaphore, #tpu.memory_space<semaphore_mem>>)
    %dma_start3A_672 = arith.constant 4 : i32
    %dma_start3A_673 = arith.constant 4 : i32
    %dma_start3A_674 = arith.constant 0 : i32
    %dma_start3A_675 = tpu.memref_slice %arg14[%dma_start3A_672, %dma_start3A_674] : memref<16x128xi32, #tpu.memory_space<vmem>> -> memref<1x128xi32, #tpu.memory_space<vmem>>
    %dma_start3A_676 = tpu.memref_squeeze %dma_start3A_675 : memref<1x128xi32, #tpu.memory_space<vmem>> -> memref<128xi32, #tpu.memory_space<vmem>>
    %dma_start3A_677 = arith.constant 0 : i32
    %dma_start3A_678 = tpu.memref_slice %arg15[%dma_start3A_673, %dma_start3A_677] : memref<16x128xi32, #tpu.memory_space<vmem>> -> memref<1x128xi32, #tpu.memory_space<vmem>>
    %dma_start3A_679 = tpu.memref_squeeze %dma_start3A_678 : memref<1x128xi32, #tpu.memory_space<vmem>> -> memref<128xi32, #tpu.memory_space<vmem>>
    %dma_start3A_680 = arith.constant 0 : i32
    %dma_start3A_681 = tpu.memref_slice %arg21[%dma_start3A_680] : memref<32768xi32, #tpu.memory_space<vmem_shared>> -> memref<32768xi32, #tpu.memory_space<vmem_shared>>
    tpu.enqueue_indirect_dma source(%dma_start3A_676 : memref<128xi32, #tpu.memory_space<vmem>>) target(%dma_start3A_681 : memref<32768xi32, #tpu.memory_space<vmem_shared>>) offsets(%dma_start3A_679 : memref<128xi32, #tpu.memory_space<vmem>>) semaphore(%arg23 : memref<!tpu.dma_semaphore, #tpu.memory_space<semaphore_mem>>)
    %dma_start3A_682 = arith.constant 4 : i32
    %dma_start3A_683 = arith.constant 4 : i32
    %dma_start3A_684 = arith.constant 0 : i32
    %dma_start3A_685 = tpu.memref_slice %arg16[%dma_start3A_682, %dma_start3A_684] : memref<16x128xf32, #tpu.memory_space<vmem>> -> memref<1x128xf32, #tpu.memory_space<vmem>>
    %dma_start3A_686 = tpu.memref_squeeze %dma_start3A_685 : memref<1x128xf32, #tpu.memory_space<vmem>> -> memref<128xf32, #tpu.memory_space<vmem>>
    %dma_start3A_687 = arith.constant 0 : i32
    %dma_start3A_688 = tpu.memref_slice %arg15[%dma_start3A_683, %dma_start3A_687] : memref<16x128xi32, #tpu.memory_space<vmem>> -> memref<1x128xi32, #tpu.memory_space<vmem>>
    %dma_start3A_689 = tpu.memref_squeeze %dma_start3A_688 : memref<1x128xi32, #tpu.memory_space<vmem>> -> memref<128xi32, #tpu.memory_space<vmem>>
    %dma_start3A_690 = arith.constant 0 : i32
    %dma_start3A_691 = tpu.memref_slice %arg22[%dma_start3A_690] : memref<32768xf32, #tpu.memory_space<vmem_shared>> -> memref<32768xf32, #tpu.memory_space<vmem_shared>>
    tpu.enqueue_indirect_dma source(%dma_start3A_686 : memref<128xf32, #tpu.memory_space<vmem>>) target(%dma_start3A_691 : memref<32768xf32, #tpu.memory_space<vmem_shared>>) offsets(%dma_start3A_689 : memref<128xi32, #tpu.memory_space<vmem>>) semaphore(%arg23 : memref<!tpu.dma_semaphore, #tpu.memory_space<semaphore_mem>>)
    %dma_start3A_692 = arith.constant 5 : i32
    %dma_start3A_693 = arith.constant 5 : i32
    %dma_start3A_694 = arith.constant 0 : i32
    %dma_start3A_695 = tpu.memref_slice %arg14[%dma_start3A_692, %dma_start3A_694] : memref<16x128xi32, #tpu.memory_space<vmem>> -> memref<1x128xi32, #tpu.memory_space<vmem>>
    %dma_start3A_696 = tpu.memref_squeeze %dma_start3A_695 : memref<1x128xi32, #tpu.memory_space<vmem>> -> memref<128xi32, #tpu.memory_space<vmem>>
    %dma_start3A_697 = arith.constant 0 : i32
    %dma_start3A_698 = tpu.memref_slice %arg15[%dma_start3A_693, %dma_start3A_697] : memref<16x128xi32, #tpu.memory_space<vmem>> -> memref<1x128xi32, #tpu.memory_space<vmem>>
    %dma_start3A_699 = tpu.memref_squeeze %dma_start3A_698 : memref<1x128xi32, #tpu.memory_space<vmem>> -> memref<128xi32, #tpu.memory_space<vmem>>
    %dma_start3A_700 = arith.constant 0 : i32
    %dma_start3A_701 = tpu.memref_slice %arg21[%dma_start3A_700] : memref<32768xi32, #tpu.memory_space<vmem_shared>> -> memref<32768xi32, #tpu.memory_space<vmem_shared>>
    tpu.enqueue_indirect_dma source(%dma_start3A_696 : memref<128xi32, #tpu.memory_space<vmem>>) target(%dma_start3A_701 : memref<32768xi32, #tpu.memory_space<vmem_shared>>) offsets(%dma_start3A_699 : memref<128xi32, #tpu.memory_space<vmem>>) semaphore(%arg23 : memref<!tpu.dma_semaphore, #tpu.memory_space<semaphore_mem>>)
    %dma_start3A_702 = arith.constant 5 : i32
    %dma_start3A_703 = arith.constant 5 : i32
    %dma_start3A_704 = arith.constant 0 : i32
    %dma_start3A_705 = tpu.memref_slice %arg16[%dma_start3A_702, %dma_start3A_704] : memref<16x128xf32, #tpu.memory_space<vmem>> -> memref<1x128xf32, #tpu.memory_space<vmem>>
    %dma_start3A_706 = tpu.memref_squeeze %dma_start3A_705 : memref<1x128xf32, #tpu.memory_space<vmem>> -> memref<128xf32, #tpu.memory_space<vmem>>
    %dma_start3A_707 = arith.constant 0 : i32
    %dma_start3A_708 = tpu.memref_slice %arg15[%dma_start3A_703, %dma_start3A_707] : memref<16x128xi32, #tpu.memory_space<vmem>> -> memref<1x128xi32, #tpu.memory_space<vmem>>
    %dma_start3A_709 = tpu.memref_squeeze %dma_start3A_708 : memref<1x128xi32, #tpu.memory_space<vmem>> -> memref<128xi32, #tpu.memory_space<vmem>>
    %dma_start3A_710 = arith.constant 0 : i32
    %dma_start3A_711 = tpu.memref_slice %arg22[%dma_start3A_710] : memref<32768xf32, #tpu.memory_space<vmem_shared>> -> memref<32768xf32, #tpu.memory_space<vmem_shared>>
    tpu.enqueue_indirect_dma source(%dma_start3A_706 : memref<128xf32, #tpu.memory_space<vmem>>) target(%dma_start3A_711 : memref<32768xf32, #tpu.memory_space<vmem_shared>>) offsets(%dma_start3A_709 : memref<128xi32, #tpu.memory_space<vmem>>) semaphore(%arg23 : memref<!tpu.dma_semaphore, #tpu.memory_space<semaphore_mem>>)
    %dma_start3A_712 = arith.constant 6 : i32
    %dma_start3A_713 = arith.constant 6 : i32
    %dma_start3A_714 = arith.constant 0 : i32
    %dma_start3A_715 = tpu.memref_slice %arg14[%dma_start3A_712, %dma_start3A_714] : memref<16x128xi32, #tpu.memory_space<vmem>> -> memref<1x128xi32, #tpu.memory_space<vmem>>
    %dma_start3A_716 = tpu.memref_squeeze %dma_start3A_715 : memref<1x128xi32, #tpu.memory_space<vmem>> -> memref<128xi32, #tpu.memory_space<vmem>>
    %dma_start3A_717 = arith.constant 0 : i32
    %dma_start3A_718 = tpu.memref_slice %arg15[%dma_start3A_713, %dma_start3A_717] : memref<16x128xi32, #tpu.memory_space<vmem>> -> memref<1x128xi32, #tpu.memory_space<vmem>>
    %dma_start3A_719 = tpu.memref_squeeze %dma_start3A_718 : memref<1x128xi32, #tpu.memory_space<vmem>> -> memref<128xi32, #tpu.memory_space<vmem>>
    %dma_start3A_720 = arith.constant 0 : i32
    %dma_start3A_721 = tpu.memref_slice %arg21[%dma_start3A_720] : memref<32768xi32, #tpu.memory_space<vmem_shared>> -> memref<32768xi32, #tpu.memory_space<vmem_shared>>
    tpu.enqueue_indirect_dma source(%dma_start3A_716 : memref<128xi32, #tpu.memory_space<vmem>>) target(%dma_start3A_721 : memref<32768xi32, #tpu.memory_space<vmem_shared>>) offsets(%dma_start3A_719 : memref<128xi32, #tpu.memory_space<vmem>>) semaphore(%arg23 : memref<!tpu.dma_semaphore, #tpu.memory_space<semaphore_mem>>)
    %dma_start3A_722 = arith.constant 6 : i32
    %dma_start3A_723 = arith.constant 6 : i32
    %dma_start3A_724 = arith.constant 0 : i32
    %dma_start3A_725 = tpu.memref_slice %arg16[%dma_start3A_722, %dma_start3A_724] : memref<16x128xf32, #tpu.memory_space<vmem>> -> memref<1x128xf32, #tpu.memory_space<vmem>>
    %dma_start3A_726 = tpu.memref_squeeze %dma_start3A_725 : memref<1x128xf32, #tpu.memory_space<vmem>> -> memref<128xf32, #tpu.memory_space<vmem>>
    %dma_start3A_727 = arith.constant 0 : i32
    %dma_start3A_728 = tpu.memref_slice %arg15[%dma_start3A_723, %dma_start3A_727] : memref<16x128xi32, #tpu.memory_space<vmem>> -> memref<1x128xi32, #tpu.memory_space<vmem>>
    %dma_start3A_729 = tpu.memref_squeeze %dma_start3A_728 : memref<1x128xi32, #tpu.memory_space<vmem>> -> memref<128xi32, #tpu.memory_space<vmem>>
    %dma_start3A_730 = arith.constant 0 : i32
    %dma_start3A_731 = tpu.memref_slice %arg22[%dma_start3A_730] : memref<32768xf32, #tpu.memory_space<vmem_shared>> -> memref<32768xf32, #tpu.memory_space<vmem_shared>>
    tpu.enqueue_indirect_dma source(%dma_start3A_726 : memref<128xf32, #tpu.memory_space<vmem>>) target(%dma_start3A_731 : memref<32768xf32, #tpu.memory_space<vmem_shared>>) offsets(%dma_start3A_729 : memref<128xi32, #tpu.memory_space<vmem>>) semaphore(%arg23 : memref<!tpu.dma_semaphore, #tpu.memory_space<semaphore_mem>>)
    %dma_start3A_732 = arith.constant 7 : i32
    %dma_start3A_733 = arith.constant 7 : i32
    %dma_start3A_734 = arith.constant 0 : i32
    %dma_start3A_735 = tpu.memref_slice %arg14[%dma_start3A_732, %dma_start3A_734] : memref<16x128xi32, #tpu.memory_space<vmem>> -> memref<1x128xi32, #tpu.memory_space<vmem>>
    %dma_start3A_736 = tpu.memref_squeeze %dma_start3A_735 : memref<1x128xi32, #tpu.memory_space<vmem>> -> memref<128xi32, #tpu.memory_space<vmem>>
    %dma_start3A_737 = arith.constant 0 : i32
    %dma_start3A_738 = tpu.memref_slice %arg15[%dma_start3A_733, %dma_start3A_737] : memref<16x128xi32, #tpu.memory_space<vmem>> -> memref<1x128xi32, #tpu.memory_space<vmem>>
    %dma_start3A_739 = tpu.memref_squeeze %dma_start3A_738 : memref<1x128xi32, #tpu.memory_space<vmem>> -> memref<128xi32, #tpu.memory_space<vmem>>
    %dma_start3A_740 = arith.constant 0 : i32
    %dma_start3A_741 = tpu.memref_slice %arg21[%dma_start3A_740] : memref<32768xi32, #tpu.memory_space<vmem_shared>> -> memref<32768xi32, #tpu.memory_space<vmem_shared>>
    tpu.enqueue_indirect_dma source(%dma_start3A_736 : memref<128xi32, #tpu.memory_space<vmem>>) target(%dma_start3A_741 : memref<32768xi32, #tpu.memory_space<vmem_shared>>) offsets(%dma_start3A_739 : memref<128xi32, #tpu.memory_space<vmem>>) semaphore(%arg23 : memref<!tpu.dma_semaphore, #tpu.memory_space<semaphore_mem>>)
    %dma_start3A_742 = arith.constant 7 : i32
    %dma_start3A_743 = arith.constant 7 : i32
    %dma_start3A_744 = arith.constant 0 : i32
    %dma_start3A_745 = tpu.memref_slice %arg16[%dma_start3A_742, %dma_start3A_744] : memref<16x128xf32, #tpu.memory_space<vmem>> -> memref<1x128xf32, #tpu.memory_space<vmem>>
    %dma_start3A_746 = tpu.memref_squeeze %dma_start3A_745 : memref<1x128xf32, #tpu.memory_space<vmem>> -> memref<128xf32, #tpu.memory_space<vmem>>
    %dma_start3A_747 = arith.constant 0 : i32
    %dma_start3A_748 = tpu.memref_slice %arg15[%dma_start3A_743, %dma_start3A_747] : memref<16x128xi32, #tpu.memory_space<vmem>> -> memref<1x128xi32, #tpu.memory_space<vmem>>
    %dma_start3A_749 = tpu.memref_squeeze %dma_start3A_748 : memref<1x128xi32, #tpu.memory_space<vmem>> -> memref<128xi32, #tpu.memory_space<vmem>>
    %dma_start3A_750 = arith.constant 0 : i32
    %dma_start3A_751 = tpu.memref_slice %arg22[%dma_start3A_750] : memref<32768xf32, #tpu.memory_space<vmem_shared>> -> memref<32768xf32, #tpu.memory_space<vmem_shared>>
    tpu.enqueue_indirect_dma source(%dma_start3A_746 : memref<128xf32, #tpu.memory_space<vmem>>) target(%dma_start3A_751 : memref<32768xf32, #tpu.memory_space<vmem_shared>>) offsets(%dma_start3A_749 : memref<128xi32, #tpu.memory_space<vmem>>) semaphore(%arg23 : memref<!tpu.dma_semaphore, #tpu.memory_space<semaphore_mem>>)
    %dma_start3A_752 = arith.constant 8 : i32
    %dma_start3A_753 = arith.constant 8 : i32
    %dma_start3A_754 = arith.constant 0 : i32
    %dma_start3A_755 = tpu.memref_slice %arg14[%dma_start3A_752, %dma_start3A_754] : memref<16x128xi32, #tpu.memory_space<vmem>> -> memref<1x128xi32, #tpu.memory_space<vmem>>
    %dma_start3A_756 = tpu.memref_squeeze %dma_start3A_755 : memref<1x128xi32, #tpu.memory_space<vmem>> -> memref<128xi32, #tpu.memory_space<vmem>>
    %dma_start3A_757 = arith.constant 0 : i32
    %dma_start3A_758 = tpu.memref_slice %arg15[%dma_start3A_753, %dma_start3A_757] : memref<16x128xi32, #tpu.memory_space<vmem>> -> memref<1x128xi32, #tpu.memory_space<vmem>>
    %dma_start3A_759 = tpu.memref_squeeze %dma_start3A_758 : memref<1x128xi32, #tpu.memory_space<vmem>> -> memref<128xi32, #tpu.memory_space<vmem>>
    %dma_start3A_760 = arith.constant 0 : i32
    %dma_start3A_761 = tpu.memref_slice %arg21[%dma_start3A_760] : memref<32768xi32, #tpu.memory_space<vmem_shared>> -> memref<32768xi32, #tpu.memory_space<vmem_shared>>
    tpu.enqueue_indirect_dma source(%dma_start3A_756 : memref<128xi32, #tpu.memory_space<vmem>>) target(%dma_start3A_761 : memref<32768xi32, #tpu.memory_space<vmem_shared>>) offsets(%dma_start3A_759 : memref<128xi32, #tpu.memory_space<vmem>>) semaphore(%arg23 : memref<!tpu.dma_semaphore, #tpu.memory_space<semaphore_mem>>)
    %dma_start3A_762 = arith.constant 8 : i32
    %dma_start3A_763 = arith.constant 8 : i32
    %dma_start3A_764 = arith.constant 0 : i32
    %dma_start3A_765 = tpu.memref_slice %arg16[%dma_start3A_762, %dma_start3A_764] : memref<16x128xf32, #tpu.memory_space<vmem>> -> memref<1x128xf32, #tpu.memory_space<vmem>>
    %dma_start3A_766 = tpu.memref_squeeze %dma_start3A_765 : memref<1x128xf32, #tpu.memory_space<vmem>> -> memref<128xf32, #tpu.memory_space<vmem>>
    %dma_start3A_767 = arith.constant 0 : i32
    %dma_start3A_768 = tpu.memref_slice %arg15[%dma_start3A_763, %dma_start3A_767] : memref<16x128xi32, #tpu.memory_space<vmem>> -> memref<1x128xi32, #tpu.memory_space<vmem>>
    %dma_start3A_769 = tpu.memref_squeeze %dma_start3A_768 : memref<1x128xi32, #tpu.memory_space<vmem>> -> memref<128xi32, #tpu.memory_space<vmem>>
    %dma_start3A_770 = arith.constant 0 : i32
    %dma_start3A_771 = tpu.memref_slice %arg22[%dma_start3A_770] : memref<32768xf32, #tpu.memory_space<vmem_shared>> -> memref<32768xf32, #tpu.memory_space<vmem_shared>>
    tpu.enqueue_indirect_dma source(%dma_start3A_766 : memref<128xf32, #tpu.memory_space<vmem>>) target(%dma_start3A_771 : memref<32768xf32, #tpu.memory_space<vmem_shared>>) offsets(%dma_start3A_769 : memref<128xi32, #tpu.memory_space<vmem>>) semaphore(%arg23 : memref<!tpu.dma_semaphore, #tpu.memory_space<semaphore_mem>>)
    %dma_start3A_772 = arith.constant 9 : i32
    %dma_start3A_773 = arith.constant 9 : i32
    %dma_start3A_774 = arith.constant 0 : i32
    %dma_start3A_775 = tpu.memref_slice %arg14[%dma_start3A_772, %dma_start3A_774] : memref<16x128xi32, #tpu.memory_space<vmem>> -> memref<1x128xi32, #tpu.memory_space<vmem>>
    %dma_start3A_776 = tpu.memref_squeeze %dma_start3A_775 : memref<1x128xi32, #tpu.memory_space<vmem>> -> memref<128xi32, #tpu.memory_space<vmem>>
    %dma_start3A_777 = arith.constant 0 : i32
    %dma_start3A_778 = tpu.memref_slice %arg15[%dma_start3A_773, %dma_start3A_777] : memref<16x128xi32, #tpu.memory_space<vmem>> -> memref<1x128xi32, #tpu.memory_space<vmem>>
    %dma_start3A_779 = tpu.memref_squeeze %dma_start3A_778 : memref<1x128xi32, #tpu.memory_space<vmem>> -> memref<128xi32, #tpu.memory_space<vmem>>
    %dma_start3A_780 = arith.constant 0 : i32
    %dma_start3A_781 = tpu.memref_slice %arg21[%dma_start3A_780] : memref<32768xi32, #tpu.memory_space<vmem_shared>> -> memref<32768xi32, #tpu.memory_space<vmem_shared>>
    tpu.enqueue_indirect_dma source(%dma_start3A_776 : memref<128xi32, #tpu.memory_space<vmem>>) target(%dma_start3A_781 : memref<32768xi32, #tpu.memory_space<vmem_shared>>) offsets(%dma_start3A_779 : memref<128xi32, #tpu.memory_space<vmem>>) semaphore(%arg23 : memref<!tpu.dma_semaphore, #tpu.memory_space<semaphore_mem>>)
    %dma_start3A_782 = arith.constant 9 : i32
    %dma_start3A_783 = arith.constant 9 : i32
    %dma_start3A_784 = arith.constant 0 : i32
    %dma_start3A_785 = tpu.memref_slice %arg16[%dma_start3A_782, %dma_start3A_784] : memref<16x128xf32, #tpu.memory_space<vmem>> -> memref<1x128xf32, #tpu.memory_space<vmem>>
    %dma_start3A_786 = tpu.memref_squeeze %dma_start3A_785 : memref<1x128xf32, #tpu.memory_space<vmem>> -> memref<128xf32, #tpu.memory_space<vmem>>
    %dma_start3A_787 = arith.constant 0 : i32
    %dma_start3A_788 = tpu.memref_slice %arg15[%dma_start3A_783, %dma_start3A_787] : memref<16x128xi32, #tpu.memory_space<vmem>> -> memref<1x128xi32, #tpu.memory_space<vmem>>
    %dma_start3A_789 = tpu.memref_squeeze %dma_start3A_788 : memref<1x128xi32, #tpu.memory_space<vmem>> -> memref<128xi32, #tpu.memory_space<vmem>>
    %dma_start3A_790 = arith.constant 0 : i32
    %dma_start3A_791 = tpu.memref_slice %arg22[%dma_start3A_790] : memref<32768xf32, #tpu.memory_space<vmem_shared>> -> memref<32768xf32, #tpu.memory_space<vmem_shared>>
    tpu.enqueue_indirect_dma source(%dma_start3A_786 : memref<128xf32, #tpu.memory_space<vmem>>) target(%dma_start3A_791 : memref<32768xf32, #tpu.memory_space<vmem_shared>>) offsets(%dma_start3A_789 : memref<128xi32, #tpu.memory_space<vmem>>) semaphore(%arg23 : memref<!tpu.dma_semaphore, #tpu.memory_space<semaphore_mem>>)
    %dma_start3A_792 = arith.constant 10 : i32
    %dma_start3A_793 = arith.constant 10 : i32
    %dma_start3A_794 = arith.constant 0 : i32
    %dma_start3A_795 = tpu.memref_slice %arg14[%dma_start3A_792, %dma_start3A_794] : memref<16x128xi32, #tpu.memory_space<vmem>> -> memref<1x128xi32, #tpu.memory_space<vmem>>
    %dma_start3A_796 = tpu.memref_squeeze %dma_start3A_795 : memref<1x128xi32, #tpu.memory_space<vmem>> -> memref<128xi32, #tpu.memory_space<vmem>>
    %dma_start3A_797 = arith.constant 0 : i32
    %dma_start3A_798 = tpu.memref_slice %arg15[%dma_start3A_793, %dma_start3A_797] : memref<16x128xi32, #tpu.memory_space<vmem>> -> memref<1x128xi32, #tpu.memory_space<vmem>>
    %dma_start3A_799 = tpu.memref_squeeze %dma_start3A_798 : memref<1x128xi32, #tpu.memory_space<vmem>> -> memref<128xi32, #tpu.memory_space<vmem>>
    %dma_start3A_800 = arith.constant 0 : i32
    %dma_start3A_801 = tpu.memref_slice %arg21[%dma_start3A_800] : memref<32768xi32, #tpu.memory_space<vmem_shared>> -> memref<32768xi32, #tpu.memory_space<vmem_shared>>
    tpu.enqueue_indirect_dma source(%dma_start3A_796 : memref<128xi32, #tpu.memory_space<vmem>>) target(%dma_start3A_801 : memref<32768xi32, #tpu.memory_space<vmem_shared>>) offsets(%dma_start3A_799 : memref<128xi32, #tpu.memory_space<vmem>>) semaphore(%arg23 : memref<!tpu.dma_semaphore, #tpu.memory_space<semaphore_mem>>)
    %dma_start3A_802 = arith.constant 10 : i32
    %dma_start3A_803 = arith.constant 10 : i32
    %dma_start3A_804 = arith.constant 0 : i32
    %dma_start3A_805 = tpu.memref_slice %arg16[%dma_start3A_802, %dma_start3A_804] : memref<16x128xf32, #tpu.memory_space<vmem>> -> memref<1x128xf32, #tpu.memory_space<vmem>>
    %dma_start3A_806 = tpu.memref_squeeze %dma_start3A_805 : memref<1x128xf32, #tpu.memory_space<vmem>> -> memref<128xf32, #tpu.memory_space<vmem>>
    %dma_start3A_807 = arith.constant 0 : i32
    %dma_start3A_808 = tpu.memref_slice %arg15[%dma_start3A_803, %dma_start3A_807] : memref<16x128xi32, #tpu.memory_space<vmem>> -> memref<1x128xi32, #tpu.memory_space<vmem>>
    %dma_start3A_809 = tpu.memref_squeeze %dma_start3A_808 : memref<1x128xi32, #tpu.memory_space<vmem>> -> memref<128xi32, #tpu.memory_space<vmem>>
    %dma_start3A_810 = arith.constant 0 : i32
    %dma_start3A_811 = tpu.memref_slice %arg22[%dma_start3A_810] : memref<32768xf32, #tpu.memory_space<vmem_shared>> -> memref<32768xf32, #tpu.memory_space<vmem_shared>>
    tpu.enqueue_indirect_dma source(%dma_start3A_806 : memref<128xf32, #tpu.memory_space<vmem>>) target(%dma_start3A_811 : memref<32768xf32, #tpu.memory_space<vmem_shared>>) offsets(%dma_start3A_809 : memref<128xi32, #tpu.memory_space<vmem>>) semaphore(%arg23 : memref<!tpu.dma_semaphore, #tpu.memory_space<semaphore_mem>>)
    %dma_start3A_812 = arith.constant 11 : i32
    %dma_start3A_813 = arith.constant 11 : i32
    %dma_start3A_814 = arith.constant 0 : i32
    %dma_start3A_815 = tpu.memref_slice %arg14[%dma_start3A_812, %dma_start3A_814] : memref<16x128xi32, #tpu.memory_space<vmem>> -> memref<1x128xi32, #tpu.memory_space<vmem>>
    %dma_start3A_816 = tpu.memref_squeeze %dma_start3A_815 : memref<1x128xi32, #tpu.memory_space<vmem>> -> memref<128xi32, #tpu.memory_space<vmem>>
    %dma_start3A_817 = arith.constant 0 : i32
    %dma_start3A_818 = tpu.memref_slice %arg15[%dma_start3A_813, %dma_start3A_817] : memref<16x128xi32, #tpu.memory_space<vmem>> -> memref<1x128xi32, #tpu.memory_space<vmem>>
    %dma_start3A_819 = tpu.memref_squeeze %dma_start3A_818 : memref<1x128xi32, #tpu.memory_space<vmem>> -> memref<128xi32, #tpu.memory_space<vmem>>
    %dma_start3A_820 = arith.constant 0 : i32
    %dma_start3A_821 = tpu.memref_slice %arg21[%dma_start3A_820] : memref<32768xi32, #tpu.memory_space<vmem_shared>> -> memref<32768xi32, #tpu.memory_space<vmem_shared>>
    tpu.enqueue_indirect_dma source(%dma_start3A_816 : memref<128xi32, #tpu.memory_space<vmem>>) target(%dma_start3A_821 : memref<32768xi32, #tpu.memory_space<vmem_shared>>) offsets(%dma_start3A_819 : memref<128xi32, #tpu.memory_space<vmem>>) semaphore(%arg23 : memref<!tpu.dma_semaphore, #tpu.memory_space<semaphore_mem>>)
    %dma_start3A_822 = arith.constant 11 : i32
    %dma_start3A_823 = arith.constant 11 : i32
    %dma_start3A_824 = arith.constant 0 : i32
    %dma_start3A_825 = tpu.memref_slice %arg16[%dma_start3A_822, %dma_start3A_824] : memref<16x128xf32, #tpu.memory_space<vmem>> -> memref<1x128xf32, #tpu.memory_space<vmem>>
    %dma_start3A_826 = tpu.memref_squeeze %dma_start3A_825 : memref<1x128xf32, #tpu.memory_space<vmem>> -> memref<128xf32, #tpu.memory_space<vmem>>
    %dma_start3A_827 = arith.constant 0 : i32
    %dma_start3A_828 = tpu.memref_slice %arg15[%dma_start3A_823, %dma_start3A_827] : memref<16x128xi32, #tpu.memory_space<vmem>> -> memref<1x128xi32, #tpu.memory_space<vmem>>
    %dma_start3A_829 = tpu.memref_squeeze %dma_start3A_828 : memref<1x128xi32, #tpu.memory_space<vmem>> -> memref<128xi32, #tpu.memory_space<vmem>>
    %dma_start3A_830 = arith.constant 0 : i32
    %dma_start3A_831 = tpu.memref_slice %arg22[%dma_start3A_830] : memref<32768xf32, #tpu.memory_space<vmem_shared>> -> memref<32768xf32, #tpu.memory_space<vmem_shared>>
    tpu.enqueue_indirect_dma source(%dma_start3A_826 : memref<128xf32, #tpu.memory_space<vmem>>) target(%dma_start3A_831 : memref<32768xf32, #tpu.memory_space<vmem_shared>>) offsets(%dma_start3A_829 : memref<128xi32, #tpu.memory_space<vmem>>) semaphore(%arg23 : memref<!tpu.dma_semaphore, #tpu.memory_space<semaphore_mem>>)
    %dma_start3A_832 = arith.constant 12 : i32
    %dma_start3A_833 = arith.constant 12 : i32
    %dma_start3A_834 = arith.constant 0 : i32
    %dma_start3A_835 = tpu.memref_slice %arg14[%dma_start3A_832, %dma_start3A_834] : memref<16x128xi32, #tpu.memory_space<vmem>> -> memref<1x128xi32, #tpu.memory_space<vmem>>
    %dma_start3A_836 = tpu.memref_squeeze %dma_start3A_835 : memref<1x128xi32, #tpu.memory_space<vmem>> -> memref<128xi32, #tpu.memory_space<vmem>>
    %dma_start3A_837 = arith.constant 0 : i32
    %dma_start3A_838 = tpu.memref_slice %arg15[%dma_start3A_833, %dma_start3A_837] : memref<16x128xi32, #tpu.memory_space<vmem>> -> memref<1x128xi32, #tpu.memory_space<vmem>>
    %dma_start3A_839 = tpu.memref_squeeze %dma_start3A_838 : memref<1x128xi32, #tpu.memory_space<vmem>> -> memref<128xi32, #tpu.memory_space<vmem>>
    %dma_start3A_840 = arith.constant 0 : i32
    %dma_start3A_841 = tpu.memref_slice %arg21[%dma_start3A_840] : memref<32768xi32, #tpu.memory_space<vmem_shared>> -> memref<32768xi32, #tpu.memory_space<vmem_shared>>
    tpu.enqueue_indirect_dma source(%dma_start3A_836 : memref<128xi32, #tpu.memory_space<vmem>>) target(%dma_start3A_841 : memref<32768xi32, #tpu.memory_space<vmem_shared>>) offsets(%dma_start3A_839 : memref<128xi32, #tpu.memory_space<vmem>>) semaphore(%arg23 : memref<!tpu.dma_semaphore, #tpu.memory_space<semaphore_mem>>)
    %dma_start3A_842 = arith.constant 12 : i32
    %dma_start3A_843 = arith.constant 12 : i32
    %dma_start3A_844 = arith.constant 0 : i32
    %dma_start3A_845 = tpu.memref_slice %arg16[%dma_start3A_842, %dma_start3A_844] : memref<16x128xf32, #tpu.memory_space<vmem>> -> memref<1x128xf32, #tpu.memory_space<vmem>>
    %dma_start3A_846 = tpu.memref_squeeze %dma_start3A_845 : memref<1x128xf32, #tpu.memory_space<vmem>> -> memref<128xf32, #tpu.memory_space<vmem>>
    %dma_start3A_847 = arith.constant 0 : i32
    %dma_start3A_848 = tpu.memref_slice %arg15[%dma_start3A_843, %dma_start3A_847] : memref<16x128xi32, #tpu.memory_space<vmem>> -> memref<1x128xi32, #tpu.memory_space<vmem>>
    %dma_start3A_849 = tpu.memref_squeeze %dma_start3A_848 : memref<1x128xi32, #tpu.memory_space<vmem>> -> memref<128xi32, #tpu.memory_space<vmem>>
    %dma_start3A_850 = arith.constant 0 : i32
    %dma_start3A_851 = tpu.memref_slice %arg22[%dma_start3A_850] : memref<32768xf32, #tpu.memory_space<vmem_shared>> -> memref<32768xf32, #tpu.memory_space<vmem_shared>>
    tpu.enqueue_indirect_dma source(%dma_start3A_846 : memref<128xf32, #tpu.memory_space<vmem>>) target(%dma_start3A_851 : memref<32768xf32, #tpu.memory_space<vmem_shared>>) offsets(%dma_start3A_849 : memref<128xi32, #tpu.memory_space<vmem>>) semaphore(%arg23 : memref<!tpu.dma_semaphore, #tpu.memory_space<semaphore_mem>>)
    %dma_start3A_852 = arith.constant 13 : i32
    %dma_start3A_853 = arith.constant 13 : i32
    %dma_start3A_854 = arith.constant 0 : i32
    %dma_start3A_855 = tpu.memref_slice %arg14[%dma_start3A_852, %dma_start3A_854] : memref<16x128xi32, #tpu.memory_space<vmem>> -> memref<1x128xi32, #tpu.memory_space<vmem>>
    %dma_start3A_856 = tpu.memref_squeeze %dma_start3A_855 : memref<1x128xi32, #tpu.memory_space<vmem>> -> memref<128xi32, #tpu.memory_space<vmem>>
    %dma_start3A_857 = arith.constant 0 : i32
    %dma_start3A_858 = tpu.memref_slice %arg15[%dma_start3A_853, %dma_start3A_857] : memref<16x128xi32, #tpu.memory_space<vmem>> -> memref<1x128xi32, #tpu.memory_space<vmem>>
    %dma_start3A_859 = tpu.memref_squeeze %dma_start3A_858 : memref<1x128xi32, #tpu.memory_space<vmem>> -> memref<128xi32, #tpu.memory_space<vmem>>
    %dma_start3A_860 = arith.constant 0 : i32
    %dma_start3A_861 = tpu.memref_slice %arg21[%dma_start3A_860] : memref<32768xi32, #tpu.memory_space<vmem_shared>> -> memref<32768xi32, #tpu.memory_space<vmem_shared>>
    tpu.enqueue_indirect_dma source(%dma_start3A_856 : memref<128xi32, #tpu.memory_space<vmem>>) target(%dma_start3A_861 : memref<32768xi32, #tpu.memory_space<vmem_shared>>) offsets(%dma_start3A_859 : memref<128xi32, #tpu.memory_space<vmem>>) semaphore(%arg23 : memref<!tpu.dma_semaphore, #tpu.memory_space<semaphore_mem>>)
    %dma_start3A_862 = arith.constant 13 : i32
    %dma_start3A_863 = arith.constant 13 : i32
    %dma_start3A_864 = arith.constant 0 : i32
    %dma_start3A_865 = tpu.memref_slice %arg16[%dma_start3A_862, %dma_start3A_864] : memref<16x128xf32, #tpu.memory_space<vmem>> -> memref<1x128xf32, #tpu.memory_space<vmem>>
    %dma_start3A_866 = tpu.memref_squeeze %dma_start3A_865 : memref<1x128xf32, #tpu.memory_space<vmem>> -> memref<128xf32, #tpu.memory_space<vmem>>
    %dma_start3A_867 = arith.constant 0 : i32
    %dma_start3A_868 = tpu.memref_slice %arg15[%dma_start3A_863, %dma_start3A_867] : memref<16x128xi32, #tpu.memory_space<vmem>> -> memref<1x128xi32, #tpu.memory_space<vmem>>
    %dma_start3A_869 = tpu.memref_squeeze %dma_start3A_868 : memref<1x128xi32, #tpu.memory_space<vmem>> -> memref<128xi32, #tpu.memory_space<vmem>>
    %dma_start3A_870 = arith.constant 0 : i32
    %dma_start3A_871 = tpu.memref_slice %arg22[%dma_start3A_870] : memref<32768xf32, #tpu.memory_space<vmem_shared>> -> memref<32768xf32, #tpu.memory_space<vmem_shared>>
    tpu.enqueue_indirect_dma source(%dma_start3A_866 : memref<128xf32, #tpu.memory_space<vmem>>) target(%dma_start3A_871 : memref<32768xf32, #tpu.memory_space<vmem_shared>>) offsets(%dma_start3A_869 : memref<128xi32, #tpu.memory_space<vmem>>) semaphore(%arg23 : memref<!tpu.dma_semaphore, #tpu.memory_space<semaphore_mem>>)
    %dma_start3A_872 = arith.constant 14 : i32
    %dma_start3A_873 = arith.constant 14 : i32
    %dma_start3A_874 = arith.constant 0 : i32
    %dma_start3A_875 = tpu.memref_slice %arg14[%dma_start3A_872, %dma_start3A_874] : memref<16x128xi32, #tpu.memory_space<vmem>> -> memref<1x128xi32, #tpu.memory_space<vmem>>
    %dma_start3A_876 = tpu.memref_squeeze %dma_start3A_875 : memref<1x128xi32, #tpu.memory_space<vmem>> -> memref<128xi32, #tpu.memory_space<vmem>>
    %dma_start3A_877 = arith.constant 0 : i32
    %dma_start3A_878 = tpu.memref_slice %arg15[%dma_start3A_873, %dma_start3A_877] : memref<16x128xi32, #tpu.memory_space<vmem>> -> memref<1x128xi32, #tpu.memory_space<vmem>>
    %dma_start3A_879 = tpu.memref_squeeze %dma_start3A_878 : memref<1x128xi32, #tpu.memory_space<vmem>> -> memref<128xi32, #tpu.memory_space<vmem>>
    %dma_start3A_880 = arith.constant 0 : i32
    %dma_start3A_881 = tpu.memref_slice %arg21[%dma_start3A_880] : memref<32768xi32, #tpu.memory_space<vmem_shared>> -> memref<32768xi32, #tpu.memory_space<vmem_shared>>
    tpu.enqueue_indirect_dma source(%dma_start3A_876 : memref<128xi32, #tpu.memory_space<vmem>>) target(%dma_start3A_881 : memref<32768xi32, #tpu.memory_space<vmem_shared>>) offsets(%dma_start3A_879 : memref<128xi32, #tpu.memory_space<vmem>>) semaphore(%arg23 : memref<!tpu.dma_semaphore, #tpu.memory_space<semaphore_mem>>)
    %dma_start3A_882 = arith.constant 14 : i32
    %dma_start3A_883 = arith.constant 14 : i32
    %dma_start3A_884 = arith.constant 0 : i32
    %dma_start3A_885 = tpu.memref_slice %arg16[%dma_start3A_882, %dma_start3A_884] : memref<16x128xf32, #tpu.memory_space<vmem>> -> memref<1x128xf32, #tpu.memory_space<vmem>>
    %dma_start3A_886 = tpu.memref_squeeze %dma_start3A_885 : memref<1x128xf32, #tpu.memory_space<vmem>> -> memref<128xf32, #tpu.memory_space<vmem>>
    %dma_start3A_887 = arith.constant 0 : i32
    %dma_start3A_888 = tpu.memref_slice %arg15[%dma_start3A_883, %dma_start3A_887] : memref<16x128xi32, #tpu.memory_space<vmem>> -> memref<1x128xi32, #tpu.memory_space<vmem>>
    %dma_start3A_889 = tpu.memref_squeeze %dma_start3A_888 : memref<1x128xi32, #tpu.memory_space<vmem>> -> memref<128xi32, #tpu.memory_space<vmem>>
    %dma_start3A_890 = arith.constant 0 : i32
    %dma_start3A_891 = tpu.memref_slice %arg22[%dma_start3A_890] : memref<32768xf32, #tpu.memory_space<vmem_shared>> -> memref<32768xf32, #tpu.memory_space<vmem_shared>>
    tpu.enqueue_indirect_dma source(%dma_start3A_886 : memref<128xf32, #tpu.memory_space<vmem>>) target(%dma_start3A_891 : memref<32768xf32, #tpu.memory_space<vmem_shared>>) offsets(%dma_start3A_889 : memref<128xi32, #tpu.memory_space<vmem>>) semaphore(%arg23 : memref<!tpu.dma_semaphore, #tpu.memory_space<semaphore_mem>>)
    %dma_start3A_892 = arith.constant 15 : i32
    %dma_start3A_893 = arith.constant 15 : i32
    %dma_start3A_894 = arith.constant 0 : i32
    %dma_start3A_895 = tpu.memref_slice %arg14[%dma_start3A_892, %dma_start3A_894] : memref<16x128xi32, #tpu.memory_space<vmem>> -> memref<1x128xi32, #tpu.memory_space<vmem>>
    %dma_start3A_896 = tpu.memref_squeeze %dma_start3A_895 : memref<1x128xi32, #tpu.memory_space<vmem>> -> memref<128xi32, #tpu.memory_space<vmem>>
    %dma_start3A_897 = arith.constant 0 : i32
    %dma_start3A_898 = tpu.memref_slice %arg15[%dma_start3A_893, %dma_start3A_897] : memref<16x128xi32, #tpu.memory_space<vmem>> -> memref<1x128xi32, #tpu.memory_space<vmem>>
    %dma_start3A_899 = tpu.memref_squeeze %dma_start3A_898 : memref<1x128xi32, #tpu.memory_space<vmem>> -> memref<128xi32, #tpu.memory_space<vmem>>
    %dma_start3A_900 = arith.constant 0 : i32
    %dma_start3A_901 = tpu.memref_slice %arg21[%dma_start3A_900] : memref<32768xi32, #tpu.memory_space<vmem_shared>> -> memref<32768xi32, #tpu.memory_space<vmem_shared>>
    tpu.enqueue_indirect_dma source(%dma_start3A_896 : memref<128xi32, #tpu.memory_space<vmem>>) target(%dma_start3A_901 : memref<32768xi32, #tpu.memory_space<vmem_shared>>) offsets(%dma_start3A_899 : memref<128xi32, #tpu.memory_space<vmem>>) semaphore(%arg23 : memref<!tpu.dma_semaphore, #tpu.memory_space<semaphore_mem>>)
    %dma_start3A_902 = arith.constant 15 : i32
    %dma_start3A_903 = arith.constant 15 : i32
    %dma_start3A_904 = arith.constant 0 : i32
    %dma_start3A_905 = tpu.memref_slice %arg16[%dma_start3A_902, %dma_start3A_904] : memref<16x128xf32, #tpu.memory_space<vmem>> -> memref<1x128xf32, #tpu.memory_space<vmem>>
    %dma_start3A_906 = tpu.memref_squeeze %dma_start3A_905 : memref<1x128xf32, #tpu.memory_space<vmem>> -> memref<128xf32, #tpu.memory_space<vmem>>
    %dma_start3A_907 = arith.constant 0 : i32
    %dma_start3A_908 = tpu.memref_slice %arg15[%dma_start3A_903, %dma_start3A_907] : memref<16x128xi32, #tpu.memory_space<vmem>> -> memref<1x128xi32, #tpu.memory_space<vmem>>
    %dma_start3A_909 = tpu.memref_squeeze %dma_start3A_908 : memref<1x128xi32, #tpu.memory_space<vmem>> -> memref<128xi32, #tpu.memory_space<vmem>>
    %dma_start3A_910 = arith.constant 0 : i32
    %dma_start3A_911 = tpu.memref_slice %arg22[%dma_start3A_910] : memref<32768xf32, #tpu.memory_space<vmem_shared>> -> memref<32768xf32, #tpu.memory_space<vmem_shared>>
    tpu.enqueue_indirect_dma source(%dma_start3A_906 : memref<128xf32, #tpu.memory_space<vmem>>) target(%dma_start3A_911 : memref<32768xf32, #tpu.memory_space<vmem_shared>>) offsets(%dma_start3A_909 : memref<128xi32, #tpu.memory_space<vmem>>) semaphore(%arg23 : memref<!tpu.dma_semaphore, #tpu.memory_space<semaphore_mem>>)
    %dma_wait3A = arith.constant 0 : i32
    %dma_wait3A_912 = arith.constant 0 : i32
    %dma_wait3A_913 = arith.constant 0 : i32
    %dma_wait3A_914 = tpu.memref_slice %arg14[%dma_wait3A, %dma_wait3A_913] : memref<16x128xi32, #tpu.memory_space<vmem>> -> memref<1x128xi32, #tpu.memory_space<vmem>>
    %dma_wait3A_915 = tpu.memref_squeeze %dma_wait3A_914 : memref<1x128xi32, #tpu.memory_space<vmem>> -> memref<128xi32, #tpu.memory_space<vmem>>
    %dma_wait3A_916 = arith.constant 0 : i32
    %dma_wait3A_917 = tpu.memref_slice %arg15[%dma_wait3A_912, %dma_wait3A_916] : memref<16x128xi32, #tpu.memory_space<vmem>> -> memref<1x128xi32, #tpu.memory_space<vmem>>
    %dma_wait3A_918 = tpu.memref_squeeze %dma_wait3A_917 : memref<1x128xi32, #tpu.memory_space<vmem>> -> memref<128xi32, #tpu.memory_space<vmem>>
    %dma_wait3A_919 = arith.constant 0 : i32
    %dma_wait3A_920 = tpu.memref_slice %arg21[%dma_wait3A_919] : memref<32768xi32, #tpu.memory_space<vmem_shared>> -> memref<32768xi32, #tpu.memory_space<vmem_shared>>
    tpu.wait_indirect_dma semaphore(%arg23 : memref<!tpu.dma_semaphore, #tpu.memory_space<semaphore_mem>>) src(%dma_wait3A_915 : memref<128xi32, #tpu.memory_space<vmem>>) dst(%dma_wait3A_920 : memref<32768xi32, #tpu.memory_space<vmem_shared>>)
    %dma_wait3A_921 = arith.constant 0 : i32
    %dma_wait3A_922 = arith.constant 0 : i32
    %dma_wait3A_923 = arith.constant 0 : i32
    %dma_wait3A_924 = tpu.memref_slice %arg16[%dma_wait3A_921, %dma_wait3A_923] : memref<16x128xf32, #tpu.memory_space<vmem>> -> memref<1x128xf32, #tpu.memory_space<vmem>>
    %dma_wait3A_925 = tpu.memref_squeeze %dma_wait3A_924 : memref<1x128xf32, #tpu.memory_space<vmem>> -> memref<128xf32, #tpu.memory_space<vmem>>
    %dma_wait3A_926 = arith.constant 0 : i32
    %dma_wait3A_927 = tpu.memref_slice %arg15[%dma_wait3A_922, %dma_wait3A_926] : memref<16x128xi32, #tpu.memory_space<vmem>> -> memref<1x128xi32, #tpu.memory_space<vmem>>
    %dma_wait3A_928 = tpu.memref_squeeze %dma_wait3A_927 : memref<1x128xi32, #tpu.memory_space<vmem>> -> memref<128xi32, #tpu.memory_space<vmem>>
    %dma_wait3A_929 = arith.constant 0 : i32
    %dma_wait3A_930 = tpu.memref_slice %arg22[%dma_wait3A_929] : memref<32768xf32, #tpu.memory_space<vmem_shared>> -> memref<32768xf32, #tpu.memory_space<vmem_shared>>
    tpu.wait_indirect_dma semaphore(%arg23 : memref<!tpu.dma_semaphore, #tpu.memory_space<semaphore_mem>>) src(%dma_wait3A_925 : memref<128xf32, #tpu.memory_space<vmem>>) dst(%dma_wait3A_930 : memref<32768xf32, #tpu.memory_space<vmem_shared>>)
    %dma_wait3A_931 = arith.constant 1 : i32
    %dma_wait3A_932 = arith.constant 1 : i32
    %dma_wait3A_933 = arith.constant 0 : i32
    %dma_wait3A_934 = tpu.memref_slice %arg14[%dma_wait3A_931, %dma_wait3A_933] : memref<16x128xi32, #tpu.memory_space<vmem>> -> memref<1x128xi32, #tpu.memory_space<vmem>>
    %dma_wait3A_935 = tpu.memref_squeeze %dma_wait3A_934 : memref<1x128xi32, #tpu.memory_space<vmem>> -> memref<128xi32, #tpu.memory_space<vmem>>
    %dma_wait3A_936 = arith.constant 0 : i32
    %dma_wait3A_937 = tpu.memref_slice %arg15[%dma_wait3A_932, %dma_wait3A_936] : memref<16x128xi32, #tpu.memory_space<vmem>> -> memref<1x128xi32, #tpu.memory_space<vmem>>
    %dma_wait3A_938 = tpu.memref_squeeze %dma_wait3A_937 : memref<1x128xi32, #tpu.memory_space<vmem>> -> memref<128xi32, #tpu.memory_space<vmem>>
    %dma_wait3A_939 = arith.constant 0 : i32
    %dma_wait3A_940 = tpu.memref_slice %arg21[%dma_wait3A_939] : memref<32768xi32, #tpu.memory_space<vmem_shared>> -> memref<32768xi32, #tpu.memory_space<vmem_shared>>
    tpu.wait_indirect_dma semaphore(%arg23 : memref<!tpu.dma_semaphore, #tpu.memory_space<semaphore_mem>>) src(%dma_wait3A_935 : memref<128xi32, #tpu.memory_space<vmem>>) dst(%dma_wait3A_940 : memref<32768xi32, #tpu.memory_space<vmem_shared>>)
    %dma_wait3A_941 = arith.constant 1 : i32
    %dma_wait3A_942 = arith.constant 1 : i32
    %dma_wait3A_943 = arith.constant 0 : i32
    %dma_wait3A_944 = tpu.memref_slice %arg16[%dma_wait3A_941, %dma_wait3A_943] : memref<16x128xf32, #tpu.memory_space<vmem>> -> memref<1x128xf32, #tpu.memory_space<vmem>>
    %dma_wait3A_945 = tpu.memref_squeeze %dma_wait3A_944 : memref<1x128xf32, #tpu.memory_space<vmem>> -> memref<128xf32, #tpu.memory_space<vmem>>
    %dma_wait3A_946 = arith.constant 0 : i32
    %dma_wait3A_947 = tpu.memref_slice %arg15[%dma_wait3A_942, %dma_wait3A_946] : memref<16x128xi32, #tpu.memory_space<vmem>> -> memref<1x128xi32, #tpu.memory_space<vmem>>
    %dma_wait3A_948 = tpu.memref_squeeze %dma_wait3A_947 : memref<1x128xi32, #tpu.memory_space<vmem>> -> memref<128xi32, #tpu.memory_space<vmem>>
    %dma_wait3A_949 = arith.constant 0 : i32
    %dma_wait3A_950 = tpu.memref_slice %arg22[%dma_wait3A_949] : memref<32768xf32, #tpu.memory_space<vmem_shared>> -> memref<32768xf32, #tpu.memory_space<vmem_shared>>
    tpu.wait_indirect_dma semaphore(%arg23 : memref<!tpu.dma_semaphore, #tpu.memory_space<semaphore_mem>>) src(%dma_wait3A_945 : memref<128xf32, #tpu.memory_space<vmem>>) dst(%dma_wait3A_950 : memref<32768xf32, #tpu.memory_space<vmem_shared>>)
    %dma_wait3A_951 = arith.constant 2 : i32
    %dma_wait3A_952 = arith.constant 2 : i32
    %dma_wait3A_953 = arith.constant 0 : i32
    %dma_wait3A_954 = tpu.memref_slice %arg14[%dma_wait3A_951, %dma_wait3A_953] : memref<16x128xi32, #tpu.memory_space<vmem>> -> memref<1x128xi32, #tpu.memory_space<vmem>>
    %dma_wait3A_955 = tpu.memref_squeeze %dma_wait3A_954 : memref<1x128xi32, #tpu.memory_space<vmem>> -> memref<128xi32, #tpu.memory_space<vmem>>
    %dma_wait3A_956 = arith.constant 0 : i32
    %dma_wait3A_957 = tpu.memref_slice %arg15[%dma_wait3A_952, %dma_wait3A_956] : memref<16x128xi32, #tpu.memory_space<vmem>> -> memref<1x128xi32, #tpu.memory_space<vmem>>
    %dma_wait3A_958 = tpu.memref_squeeze %dma_wait3A_957 : memref<1x128xi32, #tpu.memory_space<vmem>> -> memref<128xi32, #tpu.memory_space<vmem>>
    %dma_wait3A_959 = arith.constant 0 : i32
    %dma_wait3A_960 = tpu.memref_slice %arg21[%dma_wait3A_959] : memref<32768xi32, #tpu.memory_space<vmem_shared>> -> memref<32768xi32, #tpu.memory_space<vmem_shared>>
    tpu.wait_indirect_dma semaphore(%arg23 : memref<!tpu.dma_semaphore, #tpu.memory_space<semaphore_mem>>) src(%dma_wait3A_955 : memref<128xi32, #tpu.memory_space<vmem>>) dst(%dma_wait3A_960 : memref<32768xi32, #tpu.memory_space<vmem_shared>>)
    %dma_wait3A_961 = arith.constant 2 : i32
    %dma_wait3A_962 = arith.constant 2 : i32
    %dma_wait3A_963 = arith.constant 0 : i32
    %dma_wait3A_964 = tpu.memref_slice %arg16[%dma_wait3A_961, %dma_wait3A_963] : memref<16x128xf32, #tpu.memory_space<vmem>> -> memref<1x128xf32, #tpu.memory_space<vmem>>
    %dma_wait3A_965 = tpu.memref_squeeze %dma_wait3A_964 : memref<1x128xf32, #tpu.memory_space<vmem>> -> memref<128xf32, #tpu.memory_space<vmem>>
    %dma_wait3A_966 = arith.constant 0 : i32
    %dma_wait3A_967 = tpu.memref_slice %arg15[%dma_wait3A_962, %dma_wait3A_966] : memref<16x128xi32, #tpu.memory_space<vmem>> -> memref<1x128xi32, #tpu.memory_space<vmem>>
    %dma_wait3A_968 = tpu.memref_squeeze %dma_wait3A_967 : memref<1x128xi32, #tpu.memory_space<vmem>> -> memref<128xi32, #tpu.memory_space<vmem>>
    %dma_wait3A_969 = arith.constant 0 : i32
    %dma_wait3A_970 = tpu.memref_slice %arg22[%dma_wait3A_969] : memref<32768xf32, #tpu.memory_space<vmem_shared>> -> memref<32768xf32, #tpu.memory_space<vmem_shared>>
    tpu.wait_indirect_dma semaphore(%arg23 : memref<!tpu.dma_semaphore, #tpu.memory_space<semaphore_mem>>) src(%dma_wait3A_965 : memref<128xf32, #tpu.memory_space<vmem>>) dst(%dma_wait3A_970 : memref<32768xf32, #tpu.memory_space<vmem_shared>>)
    %dma_wait3A_971 = arith.constant 3 : i32
    %dma_wait3A_972 = arith.constant 3 : i32
    %dma_wait3A_973 = arith.constant 0 : i32
    %dma_wait3A_974 = tpu.memref_slice %arg14[%dma_wait3A_971, %dma_wait3A_973] : memref<16x128xi32, #tpu.memory_space<vmem>> -> memref<1x128xi32, #tpu.memory_space<vmem>>
    %dma_wait3A_975 = tpu.memref_squeeze %dma_wait3A_974 : memref<1x128xi32, #tpu.memory_space<vmem>> -> memref<128xi32, #tpu.memory_space<vmem>>
    %dma_wait3A_976 = arith.constant 0 : i32
    %dma_wait3A_977 = tpu.memref_slice %arg15[%dma_wait3A_972, %dma_wait3A_976] : memref<16x128xi32, #tpu.memory_space<vmem>> -> memref<1x128xi32, #tpu.memory_space<vmem>>
    %dma_wait3A_978 = tpu.memref_squeeze %dma_wait3A_977 : memref<1x128xi32, #tpu.memory_space<vmem>> -> memref<128xi32, #tpu.memory_space<vmem>>
    %dma_wait3A_979 = arith.constant 0 : i32
    %dma_wait3A_980 = tpu.memref_slice %arg21[%dma_wait3A_979] : memref<32768xi32, #tpu.memory_space<vmem_shared>> -> memref<32768xi32, #tpu.memory_space<vmem_shared>>
    tpu.wait_indirect_dma semaphore(%arg23 : memref<!tpu.dma_semaphore, #tpu.memory_space<semaphore_mem>>) src(%dma_wait3A_975 : memref<128xi32, #tpu.memory_space<vmem>>) dst(%dma_wait3A_980 : memref<32768xi32, #tpu.memory_space<vmem_shared>>)
    %dma_wait3A_981 = arith.constant 3 : i32
    %dma_wait3A_982 = arith.constant 3 : i32
    %dma_wait3A_983 = arith.constant 0 : i32
    %dma_wait3A_984 = tpu.memref_slice %arg16[%dma_wait3A_981, %dma_wait3A_983] : memref<16x128xf32, #tpu.memory_space<vmem>> -> memref<1x128xf32, #tpu.memory_space<vmem>>
    %dma_wait3A_985 = tpu.memref_squeeze %dma_wait3A_984 : memref<1x128xf32, #tpu.memory_space<vmem>> -> memref<128xf32, #tpu.memory_space<vmem>>
    %dma_wait3A_986 = arith.constant 0 : i32
    %dma_wait3A_987 = tpu.memref_slice %arg15[%dma_wait3A_982, %dma_wait3A_986] : memref<16x128xi32, #tpu.memory_space<vmem>> -> memref<1x128xi32, #tpu.memory_space<vmem>>
    %dma_wait3A_988 = tpu.memref_squeeze %dma_wait3A_987 : memref<1x128xi32, #tpu.memory_space<vmem>> -> memref<128xi32, #tpu.memory_space<vmem>>
    %dma_wait3A_989 = arith.constant 0 : i32
    %dma_wait3A_990 = tpu.memref_slice %arg22[%dma_wait3A_989] : memref<32768xf32, #tpu.memory_space<vmem_shared>> -> memref<32768xf32, #tpu.memory_space<vmem_shared>>
    tpu.wait_indirect_dma semaphore(%arg23 : memref<!tpu.dma_semaphore, #tpu.memory_space<semaphore_mem>>) src(%dma_wait3A_985 : memref<128xf32, #tpu.memory_space<vmem>>) dst(%dma_wait3A_990 : memref<32768xf32, #tpu.memory_space<vmem_shared>>)
    %dma_wait3A_991 = arith.constant 4 : i32
    %dma_wait3A_992 = arith.constant 4 : i32
    %dma_wait3A_993 = arith.constant 0 : i32
    %dma_wait3A_994 = tpu.memref_slice %arg14[%dma_wait3A_991, %dma_wait3A_993] : memref<16x128xi32, #tpu.memory_space<vmem>> -> memref<1x128xi32, #tpu.memory_space<vmem>>
    %dma_wait3A_995 = tpu.memref_squeeze %dma_wait3A_994 : memref<1x128xi32, #tpu.memory_space<vmem>> -> memref<128xi32, #tpu.memory_space<vmem>>
    %dma_wait3A_996 = arith.constant 0 : i32
    %dma_wait3A_997 = tpu.memref_slice %arg15[%dma_wait3A_992, %dma_wait3A_996] : memref<16x128xi32, #tpu.memory_space<vmem>> -> memref<1x128xi32, #tpu.memory_space<vmem>>
    %dma_wait3A_998 = tpu.memref_squeeze %dma_wait3A_997 : memref<1x128xi32, #tpu.memory_space<vmem>> -> memref<128xi32, #tpu.memory_space<vmem>>
    %dma_wait3A_999 = arith.constant 0 : i32
    %dma_wait3A_1000 = tpu.memref_slice %arg21[%dma_wait3A_999] : memref<32768xi32, #tpu.memory_space<vmem_shared>> -> memref<32768xi32, #tpu.memory_space<vmem_shared>>
    tpu.wait_indirect_dma semaphore(%arg23 : memref<!tpu.dma_semaphore, #tpu.memory_space<semaphore_mem>>) src(%dma_wait3A_995 : memref<128xi32, #tpu.memory_space<vmem>>) dst(%dma_wait3A_1000 : memref<32768xi32, #tpu.memory_space<vmem_shared>>)
    %dma_wait3A_1001 = arith.constant 4 : i32
    %dma_wait3A_1002 = arith.constant 4 : i32
    %dma_wait3A_1003 = arith.constant 0 : i32
    %dma_wait3A_1004 = tpu.memref_slice %arg16[%dma_wait3A_1001, %dma_wait3A_1003] : memref<16x128xf32, #tpu.memory_space<vmem>> -> memref<1x128xf32, #tpu.memory_space<vmem>>
    %dma_wait3A_1005 = tpu.memref_squeeze %dma_wait3A_1004 : memref<1x128xf32, #tpu.memory_space<vmem>> -> memref<128xf32, #tpu.memory_space<vmem>>
    %dma_wait3A_1006 = arith.constant 0 : i32
    %dma_wait3A_1007 = tpu.memref_slice %arg15[%dma_wait3A_1002, %dma_wait3A_1006] : memref<16x128xi32, #tpu.memory_space<vmem>> -> memref<1x128xi32, #tpu.memory_space<vmem>>
    %dma_wait3A_1008 = tpu.memref_squeeze %dma_wait3A_1007 : memref<1x128xi32, #tpu.memory_space<vmem>> -> memref<128xi32, #tpu.memory_space<vmem>>
    %dma_wait3A_1009 = arith.constant 0 : i32
    %dma_wait3A_1010 = tpu.memref_slice %arg22[%dma_wait3A_1009] : memref<32768xf32, #tpu.memory_space<vmem_shared>> -> memref<32768xf32, #tpu.memory_space<vmem_shared>>
    tpu.wait_indirect_dma semaphore(%arg23 : memref<!tpu.dma_semaphore, #tpu.memory_space<semaphore_mem>>) src(%dma_wait3A_1005 : memref<128xf32, #tpu.memory_space<vmem>>) dst(%dma_wait3A_1010 : memref<32768xf32, #tpu.memory_space<vmem_shared>>)
    %dma_wait3A_1011 = arith.constant 5 : i32
    %dma_wait3A_1012 = arith.constant 5 : i32
    %dma_wait3A_1013 = arith.constant 0 : i32
    %dma_wait3A_1014 = tpu.memref_slice %arg14[%dma_wait3A_1011, %dma_wait3A_1013] : memref<16x128xi32, #tpu.memory_space<vmem>> -> memref<1x128xi32, #tpu.memory_space<vmem>>
    %dma_wait3A_1015 = tpu.memref_squeeze %dma_wait3A_1014 : memref<1x128xi32, #tpu.memory_space<vmem>> -> memref<128xi32, #tpu.memory_space<vmem>>
    %dma_wait3A_1016 = arith.constant 0 : i32
    %dma_wait3A_1017 = tpu.memref_slice %arg15[%dma_wait3A_1012, %dma_wait3A_1016] : memref<16x128xi32, #tpu.memory_space<vmem>> -> memref<1x128xi32, #tpu.memory_space<vmem>>
    %dma_wait3A_1018 = tpu.memref_squeeze %dma_wait3A_1017 : memref<1x128xi32, #tpu.memory_space<vmem>> -> memref<128xi32, #tpu.memory_space<vmem>>
    %dma_wait3A_1019 = arith.constant 0 : i32
    %dma_wait3A_1020 = tpu.memref_slice %arg21[%dma_wait3A_1019] : memref<32768xi32, #tpu.memory_space<vmem_shared>> -> memref<32768xi32, #tpu.memory_space<vmem_shared>>
    tpu.wait_indirect_dma semaphore(%arg23 : memref<!tpu.dma_semaphore, #tpu.memory_space<semaphore_mem>>) src(%dma_wait3A_1015 : memref<128xi32, #tpu.memory_space<vmem>>) dst(%dma_wait3A_1020 : memref<32768xi32, #tpu.memory_space<vmem_shared>>)
    %dma_wait3A_1021 = arith.constant 5 : i32
    %dma_wait3A_1022 = arith.constant 5 : i32
    %dma_wait3A_1023 = arith.constant 0 : i32
    %dma_wait3A_1024 = tpu.memref_slice %arg16[%dma_wait3A_1021, %dma_wait3A_1023] : memref<16x128xf32, #tpu.memory_space<vmem>> -> memref<1x128xf32, #tpu.memory_space<vmem>>
    %dma_wait3A_1025 = tpu.memref_squeeze %dma_wait3A_1024 : memref<1x128xf32, #tpu.memory_space<vmem>> -> memref<128xf32, #tpu.memory_space<vmem>>
    %dma_wait3A_1026 = arith.constant 0 : i32
    %dma_wait3A_1027 = tpu.memref_slice %arg15[%dma_wait3A_1022, %dma_wait3A_1026] : memref<16x128xi32, #tpu.memory_space<vmem>> -> memref<1x128xi32, #tpu.memory_space<vmem>>
    %dma_wait3A_1028 = tpu.memref_squeeze %dma_wait3A_1027 : memref<1x128xi32, #tpu.memory_space<vmem>> -> memref<128xi32, #tpu.memory_space<vmem>>
    %dma_wait3A_1029 = arith.constant 0 : i32
    %dma_wait3A_1030 = tpu.memref_slice %arg22[%dma_wait3A_1029] : memref<32768xf32, #tpu.memory_space<vmem_shared>> -> memref<32768xf32, #tpu.memory_space<vmem_shared>>
    tpu.wait_indirect_dma semaphore(%arg23 : memref<!tpu.dma_semaphore, #tpu.memory_space<semaphore_mem>>) src(%dma_wait3A_1025 : memref<128xf32, #tpu.memory_space<vmem>>) dst(%dma_wait3A_1030 : memref<32768xf32, #tpu.memory_space<vmem_shared>>)
    %dma_wait3A_1031 = arith.constant 6 : i32
    %dma_wait3A_1032 = arith.constant 6 : i32
    %dma_wait3A_1033 = arith.constant 0 : i32
    %dma_wait3A_1034 = tpu.memref_slice %arg14[%dma_wait3A_1031, %dma_wait3A_1033] : memref<16x128xi32, #tpu.memory_space<vmem>> -> memref<1x128xi32, #tpu.memory_space<vmem>>
    %dma_wait3A_1035 = tpu.memref_squeeze %dma_wait3A_1034 : memref<1x128xi32, #tpu.memory_space<vmem>> -> memref<128xi32, #tpu.memory_space<vmem>>
    %dma_wait3A_1036 = arith.constant 0 : i32
    %dma_wait3A_1037 = tpu.memref_slice %arg15[%dma_wait3A_1032, %dma_wait3A_1036] : memref<16x128xi32, #tpu.memory_space<vmem>> -> memref<1x128xi32, #tpu.memory_space<vmem>>
    %dma_wait3A_1038 = tpu.memref_squeeze %dma_wait3A_1037 : memref<1x128xi32, #tpu.memory_space<vmem>> -> memref<128xi32, #tpu.memory_space<vmem>>
    %dma_wait3A_1039 = arith.constant 0 : i32
    %dma_wait3A_1040 = tpu.memref_slice %arg21[%dma_wait3A_1039] : memref<32768xi32, #tpu.memory_space<vmem_shared>> -> memref<32768xi32, #tpu.memory_space<vmem_shared>>
    tpu.wait_indirect_dma semaphore(%arg23 : memref<!tpu.dma_semaphore, #tpu.memory_space<semaphore_mem>>) src(%dma_wait3A_1035 : memref<128xi32, #tpu.memory_space<vmem>>) dst(%dma_wait3A_1040 : memref<32768xi32, #tpu.memory_space<vmem_shared>>)
    %dma_wait3A_1041 = arith.constant 6 : i32
    %dma_wait3A_1042 = arith.constant 6 : i32
    %dma_wait3A_1043 = arith.constant 0 : i32
    %dma_wait3A_1044 = tpu.memref_slice %arg16[%dma_wait3A_1041, %dma_wait3A_1043] : memref<16x128xf32, #tpu.memory_space<vmem>> -> memref<1x128xf32, #tpu.memory_space<vmem>>
    %dma_wait3A_1045 = tpu.memref_squeeze %dma_wait3A_1044 : memref<1x128xf32, #tpu.memory_space<vmem>> -> memref<128xf32, #tpu.memory_space<vmem>>
    %dma_wait3A_1046 = arith.constant 0 : i32
    %dma_wait3A_1047 = tpu.memref_slice %arg15[%dma_wait3A_1042, %dma_wait3A_1046] : memref<16x128xi32, #tpu.memory_space<vmem>> -> memref<1x128xi32, #tpu.memory_space<vmem>>
    %dma_wait3A_1048 = tpu.memref_squeeze %dma_wait3A_1047 : memref<1x128xi32, #tpu.memory_space<vmem>> -> memref<128xi32, #tpu.memory_space<vmem>>
    %dma_wait3A_1049 = arith.constant 0 : i32
    %dma_wait3A_1050 = tpu.memref_slice %arg22[%dma_wait3A_1049] : memref<32768xf32, #tpu.memory_space<vmem_shared>> -> memref<32768xf32, #tpu.memory_space<vmem_shared>>
    tpu.wait_indirect_dma semaphore(%arg23 : memref<!tpu.dma_semaphore, #tpu.memory_space<semaphore_mem>>) src(%dma_wait3A_1045 : memref<128xf32, #tpu.memory_space<vmem>>) dst(%dma_wait3A_1050 : memref<32768xf32, #tpu.memory_space<vmem_shared>>)
    %dma_wait3A_1051 = arith.constant 7 : i32
    %dma_wait3A_1052 = arith.constant 7 : i32
    %dma_wait3A_1053 = arith.constant 0 : i32
    %dma_wait3A_1054 = tpu.memref_slice %arg14[%dma_wait3A_1051, %dma_wait3A_1053] : memref<16x128xi32, #tpu.memory_space<vmem>> -> memref<1x128xi32, #tpu.memory_space<vmem>>
    %dma_wait3A_1055 = tpu.memref_squeeze %dma_wait3A_1054 : memref<1x128xi32, #tpu.memory_space<vmem>> -> memref<128xi32, #tpu.memory_space<vmem>>
    %dma_wait3A_1056 = arith.constant 0 : i32
    %dma_wait3A_1057 = tpu.memref_slice %arg15[%dma_wait3A_1052, %dma_wait3A_1056] : memref<16x128xi32, #tpu.memory_space<vmem>> -> memref<1x128xi32, #tpu.memory_space<vmem>>
    %dma_wait3A_1058 = tpu.memref_squeeze %dma_wait3A_1057 : memref<1x128xi32, #tpu.memory_space<vmem>> -> memref<128xi32, #tpu.memory_space<vmem>>
    %dma_wait3A_1059 = arith.constant 0 : i32
    %dma_wait3A_1060 = tpu.memref_slice %arg21[%dma_wait3A_1059] : memref<32768xi32, #tpu.memory_space<vmem_shared>> -> memref<32768xi32, #tpu.memory_space<vmem_shared>>
    tpu.wait_indirect_dma semaphore(%arg23 : memref<!tpu.dma_semaphore, #tpu.memory_space<semaphore_mem>>) src(%dma_wait3A_1055 : memref<128xi32, #tpu.memory_space<vmem>>) dst(%dma_wait3A_1060 : memref<32768xi32, #tpu.memory_space<vmem_shared>>)
    %dma_wait3A_1061 = arith.constant 7 : i32
    %dma_wait3A_1062 = arith.constant 7 : i32
    %dma_wait3A_1063 = arith.constant 0 : i32
    %dma_wait3A_1064 = tpu.memref_slice %arg16[%dma_wait3A_1061, %dma_wait3A_1063] : memref<16x128xf32, #tpu.memory_space<vmem>> -> memref<1x128xf32, #tpu.memory_space<vmem>>
    %dma_wait3A_1065 = tpu.memref_squeeze %dma_wait3A_1064 : memref<1x128xf32, #tpu.memory_space<vmem>> -> memref<128xf32, #tpu.memory_space<vmem>>
    %dma_wait3A_1066 = arith.constant 0 : i32
    %dma_wait3A_1067 = tpu.memref_slice %arg15[%dma_wait3A_1062, %dma_wait3A_1066] : memref<16x128xi32, #tpu.memory_space<vmem>> -> memref<1x128xi32, #tpu.memory_space<vmem>>
    %dma_wait3A_1068 = tpu.memref_squeeze %dma_wait3A_1067 : memref<1x128xi32, #tpu.memory_space<vmem>> -> memref<128xi32, #tpu.memory_space<vmem>>
    %dma_wait3A_1069 = arith.constant 0 : i32
    %dma_wait3A_1070 = tpu.memref_slice %arg22[%dma_wait3A_1069] : memref<32768xf32, #tpu.memory_space<vmem_shared>> -> memref<32768xf32, #tpu.memory_space<vmem_shared>>
    tpu.wait_indirect_dma semaphore(%arg23 : memref<!tpu.dma_semaphore, #tpu.memory_space<semaphore_mem>>) src(%dma_wait3A_1065 : memref<128xf32, #tpu.memory_space<vmem>>) dst(%dma_wait3A_1070 : memref<32768xf32, #tpu.memory_space<vmem_shared>>)
    %dma_wait3A_1071 = arith.constant 8 : i32
    %dma_wait3A_1072 = arith.constant 8 : i32
    %dma_wait3A_1073 = arith.constant 0 : i32
    %dma_wait3A_1074 = tpu.memref_slice %arg14[%dma_wait3A_1071, %dma_wait3A_1073] : memref<16x128xi32, #tpu.memory_space<vmem>> -> memref<1x128xi32, #tpu.memory_space<vmem>>
    %dma_wait3A_1075 = tpu.memref_squeeze %dma_wait3A_1074 : memref<1x128xi32, #tpu.memory_space<vmem>> -> memref<128xi32, #tpu.memory_space<vmem>>
    %dma_wait3A_1076 = arith.constant 0 : i32
    %dma_wait3A_1077 = tpu.memref_slice %arg15[%dma_wait3A_1072, %dma_wait3A_1076] : memref<16x128xi32, #tpu.memory_space<vmem>> -> memref<1x128xi32, #tpu.memory_space<vmem>>
    %dma_wait3A_1078 = tpu.memref_squeeze %dma_wait3A_1077 : memref<1x128xi32, #tpu.memory_space<vmem>> -> memref<128xi32, #tpu.memory_space<vmem>>
    %dma_wait3A_1079 = arith.constant 0 : i32
    %dma_wait3A_1080 = tpu.memref_slice %arg21[%dma_wait3A_1079] : memref<32768xi32, #tpu.memory_space<vmem_shared>> -> memref<32768xi32, #tpu.memory_space<vmem_shared>>
    tpu.wait_indirect_dma semaphore(%arg23 : memref<!tpu.dma_semaphore, #tpu.memory_space<semaphore_mem>>) src(%dma_wait3A_1075 : memref<128xi32, #tpu.memory_space<vmem>>) dst(%dma_wait3A_1080 : memref<32768xi32, #tpu.memory_space<vmem_shared>>)
    %dma_wait3A_1081 = arith.constant 8 : i32
    %dma_wait3A_1082 = arith.constant 8 : i32
    %dma_wait3A_1083 = arith.constant 0 : i32
    %dma_wait3A_1084 = tpu.memref_slice %arg16[%dma_wait3A_1081, %dma_wait3A_1083] : memref<16x128xf32, #tpu.memory_space<vmem>> -> memref<1x128xf32, #tpu.memory_space<vmem>>
    %dma_wait3A_1085 = tpu.memref_squeeze %dma_wait3A_1084 : memref<1x128xf32, #tpu.memory_space<vmem>> -> memref<128xf32, #tpu.memory_space<vmem>>
    %dma_wait3A_1086 = arith.constant 0 : i32
    %dma_wait3A_1087 = tpu.memref_slice %arg15[%dma_wait3A_1082, %dma_wait3A_1086] : memref<16x128xi32, #tpu.memory_space<vmem>> -> memref<1x128xi32, #tpu.memory_space<vmem>>
    %dma_wait3A_1088 = tpu.memref_squeeze %dma_wait3A_1087 : memref<1x128xi32, #tpu.memory_space<vmem>> -> memref<128xi32, #tpu.memory_space<vmem>>
    %dma_wait3A_1089 = arith.constant 0 : i32
    %dma_wait3A_1090 = tpu.memref_slice %arg22[%dma_wait3A_1089] : memref<32768xf32, #tpu.memory_space<vmem_shared>> -> memref<32768xf32, #tpu.memory_space<vmem_shared>>
    tpu.wait_indirect_dma semaphore(%arg23 : memref<!tpu.dma_semaphore, #tpu.memory_space<semaphore_mem>>) src(%dma_wait3A_1085 : memref<128xf32, #tpu.memory_space<vmem>>) dst(%dma_wait3A_1090 : memref<32768xf32, #tpu.memory_space<vmem_shared>>)
    %dma_wait3A_1091 = arith.constant 9 : i32
    %dma_wait3A_1092 = arith.constant 9 : i32
    %dma_wait3A_1093 = arith.constant 0 : i32
    %dma_wait3A_1094 = tpu.memref_slice %arg14[%dma_wait3A_1091, %dma_wait3A_1093] : memref<16x128xi32, #tpu.memory_space<vmem>> -> memref<1x128xi32, #tpu.memory_space<vmem>>
    %dma_wait3A_1095 = tpu.memref_squeeze %dma_wait3A_1094 : memref<1x128xi32, #tpu.memory_space<vmem>> -> memref<128xi32, #tpu.memory_space<vmem>>
    %dma_wait3A_1096 = arith.constant 0 : i32
    %dma_wait3A_1097 = tpu.memref_slice %arg15[%dma_wait3A_1092, %dma_wait3A_1096] : memref<16x128xi32, #tpu.memory_space<vmem>> -> memref<1x128xi32, #tpu.memory_space<vmem>>
    %dma_wait3A_1098 = tpu.memref_squeeze %dma_wait3A_1097 : memref<1x128xi32, #tpu.memory_space<vmem>> -> memref<128xi32, #tpu.memory_space<vmem>>
    %dma_wait3A_1099 = arith.constant 0 : i32
    %dma_wait3A_1100 = tpu.memref_slice %arg21[%dma_wait3A_1099] : memref<32768xi32, #tpu.memory_space<vmem_shared>> -> memref<32768xi32, #tpu.memory_space<vmem_shared>>
    tpu.wait_indirect_dma semaphore(%arg23 : memref<!tpu.dma_semaphore, #tpu.memory_space<semaphore_mem>>) src(%dma_wait3A_1095 : memref<128xi32, #tpu.memory_space<vmem>>) dst(%dma_wait3A_1100 : memref<32768xi32, #tpu.memory_space<vmem_shared>>)
    %dma_wait3A_1101 = arith.constant 9 : i32
    %dma_wait3A_1102 = arith.constant 9 : i32
    %dma_wait3A_1103 = arith.constant 0 : i32
    %dma_wait3A_1104 = tpu.memref_slice %arg16[%dma_wait3A_1101, %dma_wait3A_1103] : memref<16x128xf32, #tpu.memory_space<vmem>> -> memref<1x128xf32, #tpu.memory_space<vmem>>
    %dma_wait3A_1105 = tpu.memref_squeeze %dma_wait3A_1104 : memref<1x128xf32, #tpu.memory_space<vmem>> -> memref<128xf32, #tpu.memory_space<vmem>>
    %dma_wait3A_1106 = arith.constant 0 : i32
    %dma_wait3A_1107 = tpu.memref_slice %arg15[%dma_wait3A_1102, %dma_wait3A_1106] : memref<16x128xi32, #tpu.memory_space<vmem>> -> memref<1x128xi32, #tpu.memory_space<vmem>>
    %dma_wait3A_1108 = tpu.memref_squeeze %dma_wait3A_1107 : memref<1x128xi32, #tpu.memory_space<vmem>> -> memref<128xi32, #tpu.memory_space<vmem>>
    %dma_wait3A_1109 = arith.constant 0 : i32
    %dma_wait3A_1110 = tpu.memref_slice %arg22[%dma_wait3A_1109] : memref<32768xf32, #tpu.memory_space<vmem_shared>> -> memref<32768xf32, #tpu.memory_space<vmem_shared>>
    tpu.wait_indirect_dma semaphore(%arg23 : memref<!tpu.dma_semaphore, #tpu.memory_space<semaphore_mem>>) src(%dma_wait3A_1105 : memref<128xf32, #tpu.memory_space<vmem>>) dst(%dma_wait3A_1110 : memref<32768xf32, #tpu.memory_space<vmem_shared>>)
    %dma_wait3A_1111 = arith.constant 10 : i32
    %dma_wait3A_1112 = arith.constant 10 : i32
    %dma_wait3A_1113 = arith.constant 0 : i32
    %dma_wait3A_1114 = tpu.memref_slice %arg14[%dma_wait3A_1111, %dma_wait3A_1113] : memref<16x128xi32, #tpu.memory_space<vmem>> -> memref<1x128xi32, #tpu.memory_space<vmem>>
    %dma_wait3A_1115 = tpu.memref_squeeze %dma_wait3A_1114 : memref<1x128xi32, #tpu.memory_space<vmem>> -> memref<128xi32, #tpu.memory_space<vmem>>
    %dma_wait3A_1116 = arith.constant 0 : i32
    %dma_wait3A_1117 = tpu.memref_slice %arg15[%dma_wait3A_1112, %dma_wait3A_1116] : memref<16x128xi32, #tpu.memory_space<vmem>> -> memref<1x128xi32, #tpu.memory_space<vmem>>
    %dma_wait3A_1118 = tpu.memref_squeeze %dma_wait3A_1117 : memref<1x128xi32, #tpu.memory_space<vmem>> -> memref<128xi32, #tpu.memory_space<vmem>>
    %dma_wait3A_1119 = arith.constant 0 : i32
    %dma_wait3A_1120 = tpu.memref_slice %arg21[%dma_wait3A_1119] : memref<32768xi32, #tpu.memory_space<vmem_shared>> -> memref<32768xi32, #tpu.memory_space<vmem_shared>>
    tpu.wait_indirect_dma semaphore(%arg23 : memref<!tpu.dma_semaphore, #tpu.memory_space<semaphore_mem>>) src(%dma_wait3A_1115 : memref<128xi32, #tpu.memory_space<vmem>>) dst(%dma_wait3A_1120 : memref<32768xi32, #tpu.memory_space<vmem_shared>>)
    %dma_wait3A_1121 = arith.constant 10 : i32
    %dma_wait3A_1122 = arith.constant 10 : i32
    %dma_wait3A_1123 = arith.constant 0 : i32
    %dma_wait3A_1124 = tpu.memref_slice %arg16[%dma_wait3A_1121, %dma_wait3A_1123] : memref<16x128xf32, #tpu.memory_space<vmem>> -> memref<1x128xf32, #tpu.memory_space<vmem>>
    %dma_wait3A_1125 = tpu.memref_squeeze %dma_wait3A_1124 : memref<1x128xf32, #tpu.memory_space<vmem>> -> memref<128xf32, #tpu.memory_space<vmem>>
    %dma_wait3A_1126 = arith.constant 0 : i32
    %dma_wait3A_1127 = tpu.memref_slice %arg15[%dma_wait3A_1122, %dma_wait3A_1126] : memref<16x128xi32, #tpu.memory_space<vmem>> -> memref<1x128xi32, #tpu.memory_space<vmem>>
    %dma_wait3A_1128 = tpu.memref_squeeze %dma_wait3A_1127 : memref<1x128xi32, #tpu.memory_space<vmem>> -> memref<128xi32, #tpu.memory_space<vmem>>
    %dma_wait3A_1129 = arith.constant 0 : i32
    %dma_wait3A_1130 = tpu.memref_slice %arg22[%dma_wait3A_1129] : memref<32768xf32, #tpu.memory_space<vmem_shared>> -> memref<32768xf32, #tpu.memory_space<vmem_shared>>
    tpu.wait_indirect_dma semaphore(%arg23 : memref<!tpu.dma_semaphore, #tpu.memory_space<semaphore_mem>>) src(%dma_wait3A_1125 : memref<128xf32, #tpu.memory_space<vmem>>) dst(%dma_wait3A_1130 : memref<32768xf32, #tpu.memory_space<vmem_shared>>)
    %dma_wait3A_1131 = arith.constant 11 : i32
    %dma_wait3A_1132 = arith.constant 11 : i32
    %dma_wait3A_1133 = arith.constant 0 : i32
    %dma_wait3A_1134 = tpu.memref_slice %arg14[%dma_wait3A_1131, %dma_wait3A_1133] : memref<16x128xi32, #tpu.memory_space<vmem>> -> memref<1x128xi32, #tpu.memory_space<vmem>>
    %dma_wait3A_1135 = tpu.memref_squeeze %dma_wait3A_1134 : memref<1x128xi32, #tpu.memory_space<vmem>> -> memref<128xi32, #tpu.memory_space<vmem>>
    %dma_wait3A_1136 = arith.constant 0 : i32
    %dma_wait3A_1137 = tpu.memref_slice %arg15[%dma_wait3A_1132, %dma_wait3A_1136] : memref<16x128xi32, #tpu.memory_space<vmem>> -> memref<1x128xi32, #tpu.memory_space<vmem>>
    %dma_wait3A_1138 = tpu.memref_squeeze %dma_wait3A_1137 : memref<1x128xi32, #tpu.memory_space<vmem>> -> memref<128xi32, #tpu.memory_space<vmem>>
    %dma_wait3A_1139 = arith.constant 0 : i32
    %dma_wait3A_1140 = tpu.memref_slice %arg21[%dma_wait3A_1139] : memref<32768xi32, #tpu.memory_space<vmem_shared>> -> memref<32768xi32, #tpu.memory_space<vmem_shared>>
    tpu.wait_indirect_dma semaphore(%arg23 : memref<!tpu.dma_semaphore, #tpu.memory_space<semaphore_mem>>) src(%dma_wait3A_1135 : memref<128xi32, #tpu.memory_space<vmem>>) dst(%dma_wait3A_1140 : memref<32768xi32, #tpu.memory_space<vmem_shared>>)
    %dma_wait3A_1141 = arith.constant 11 : i32
    %dma_wait3A_1142 = arith.constant 11 : i32
    %dma_wait3A_1143 = arith.constant 0 : i32
    %dma_wait3A_1144 = tpu.memref_slice %arg16[%dma_wait3A_1141, %dma_wait3A_1143] : memref<16x128xf32, #tpu.memory_space<vmem>> -> memref<1x128xf32, #tpu.memory_space<vmem>>
    %dma_wait3A_1145 = tpu.memref_squeeze %dma_wait3A_1144 : memref<1x128xf32, #tpu.memory_space<vmem>> -> memref<128xf32, #tpu.memory_space<vmem>>
    %dma_wait3A_1146 = arith.constant 0 : i32
    %dma_wait3A_1147 = tpu.memref_slice %arg15[%dma_wait3A_1142, %dma_wait3A_1146] : memref<16x128xi32, #tpu.memory_space<vmem>> -> memref<1x128xi32, #tpu.memory_space<vmem>>
    %dma_wait3A_1148 = tpu.memref_squeeze %dma_wait3A_1147 : memref<1x128xi32, #tpu.memory_space<vmem>> -> memref<128xi32, #tpu.memory_space<vmem>>
    %dma_wait3A_1149 = arith.constant 0 : i32
    %dma_wait3A_1150 = tpu.memref_slice %arg22[%dma_wait3A_1149] : memref<32768xf32, #tpu.memory_space<vmem_shared>> -> memref<32768xf32, #tpu.memory_space<vmem_shared>>
    tpu.wait_indirect_dma semaphore(%arg23 : memref<!tpu.dma_semaphore, #tpu.memory_space<semaphore_mem>>) src(%dma_wait3A_1145 : memref<128xf32, #tpu.memory_space<vmem>>) dst(%dma_wait3A_1150 : memref<32768xf32, #tpu.memory_space<vmem_shared>>)
    %dma_wait3A_1151 = arith.constant 12 : i32
    %dma_wait3A_1152 = arith.constant 12 : i32
    %dma_wait3A_1153 = arith.constant 0 : i32
    %dma_wait3A_1154 = tpu.memref_slice %arg14[%dma_wait3A_1151, %dma_wait3A_1153] : memref<16x128xi32, #tpu.memory_space<vmem>> -> memref<1x128xi32, #tpu.memory_space<vmem>>
    %dma_wait3A_1155 = tpu.memref_squeeze %dma_wait3A_1154 : memref<1x128xi32, #tpu.memory_space<vmem>> -> memref<128xi32, #tpu.memory_space<vmem>>
    %dma_wait3A_1156 = arith.constant 0 : i32
    %dma_wait3A_1157 = tpu.memref_slice %arg15[%dma_wait3A_1152, %dma_wait3A_1156] : memref<16x128xi32, #tpu.memory_space<vmem>> -> memref<1x128xi32, #tpu.memory_space<vmem>>
    %dma_wait3A_1158 = tpu.memref_squeeze %dma_wait3A_1157 : memref<1x128xi32, #tpu.memory_space<vmem>> -> memref<128xi32, #tpu.memory_space<vmem>>
    %dma_wait3A_1159 = arith.constant 0 : i32
    %dma_wait3A_1160 = tpu.memref_slice %arg21[%dma_wait3A_1159] : memref<32768xi32, #tpu.memory_space<vmem_shared>> -> memref<32768xi32, #tpu.memory_space<vmem_shared>>
    tpu.wait_indirect_dma semaphore(%arg23 : memref<!tpu.dma_semaphore, #tpu.memory_space<semaphore_mem>>) src(%dma_wait3A_1155 : memref<128xi32, #tpu.memory_space<vmem>>) dst(%dma_wait3A_1160 : memref<32768xi32, #tpu.memory_space<vmem_shared>>)
    %dma_wait3A_1161 = arith.constant 12 : i32
    %dma_wait3A_1162 = arith.constant 12 : i32
    %dma_wait3A_1163 = arith.constant 0 : i32
    %dma_wait3A_1164 = tpu.memref_slice %arg16[%dma_wait3A_1161, %dma_wait3A_1163] : memref<16x128xf32, #tpu.memory_space<vmem>> -> memref<1x128xf32, #tpu.memory_space<vmem>>
    %dma_wait3A_1165 = tpu.memref_squeeze %dma_wait3A_1164 : memref<1x128xf32, #tpu.memory_space<vmem>> -> memref<128xf32, #tpu.memory_space<vmem>>
    %dma_wait3A_1166 = arith.constant 0 : i32
    %dma_wait3A_1167 = tpu.memref_slice %arg15[%dma_wait3A_1162, %dma_wait3A_1166] : memref<16x128xi32, #tpu.memory_space<vmem>> -> memref<1x128xi32, #tpu.memory_space<vmem>>
    %dma_wait3A_1168 = tpu.memref_squeeze %dma_wait3A_1167 : memref<1x128xi32, #tpu.memory_space<vmem>> -> memref<128xi32, #tpu.memory_space<vmem>>
    %dma_wait3A_1169 = arith.constant 0 : i32
    %dma_wait3A_1170 = tpu.memref_slice %arg22[%dma_wait3A_1169] : memref<32768xf32, #tpu.memory_space<vmem_shared>> -> memref<32768xf32, #tpu.memory_space<vmem_shared>>
    tpu.wait_indirect_dma semaphore(%arg23 : memref<!tpu.dma_semaphore, #tpu.memory_space<semaphore_mem>>) src(%dma_wait3A_1165 : memref<128xf32, #tpu.memory_space<vmem>>) dst(%dma_wait3A_1170 : memref<32768xf32, #tpu.memory_space<vmem_shared>>)
    %dma_wait3A_1171 = arith.constant 13 : i32
    %dma_wait3A_1172 = arith.constant 13 : i32
    %dma_wait3A_1173 = arith.constant 0 : i32
    %dma_wait3A_1174 = tpu.memref_slice %arg14[%dma_wait3A_1171, %dma_wait3A_1173] : memref<16x128xi32, #tpu.memory_space<vmem>> -> memref<1x128xi32, #tpu.memory_space<vmem>>
    %dma_wait3A_1175 = tpu.memref_squeeze %dma_wait3A_1174 : memref<1x128xi32, #tpu.memory_space<vmem>> -> memref<128xi32, #tpu.memory_space<vmem>>
    %dma_wait3A_1176 = arith.constant 0 : i32
    %dma_wait3A_1177 = tpu.memref_slice %arg15[%dma_wait3A_1172, %dma_wait3A_1176] : memref<16x128xi32, #tpu.memory_space<vmem>> -> memref<1x128xi32, #tpu.memory_space<vmem>>
    %dma_wait3A_1178 = tpu.memref_squeeze %dma_wait3A_1177 : memref<1x128xi32, #tpu.memory_space<vmem>> -> memref<128xi32, #tpu.memory_space<vmem>>
    %dma_wait3A_1179 = arith.constant 0 : i32
    %dma_wait3A_1180 = tpu.memref_slice %arg21[%dma_wait3A_1179] : memref<32768xi32, #tpu.memory_space<vmem_shared>> -> memref<32768xi32, #tpu.memory_space<vmem_shared>>
    tpu.wait_indirect_dma semaphore(%arg23 : memref<!tpu.dma_semaphore, #tpu.memory_space<semaphore_mem>>) src(%dma_wait3A_1175 : memref<128xi32, #tpu.memory_space<vmem>>) dst(%dma_wait3A_1180 : memref<32768xi32, #tpu.memory_space<vmem_shared>>)
    %dma_wait3A_1181 = arith.constant 13 : i32
    %dma_wait3A_1182 = arith.constant 13 : i32
    %dma_wait3A_1183 = arith.constant 0 : i32
    %dma_wait3A_1184 = tpu.memref_slice %arg16[%dma_wait3A_1181, %dma_wait3A_1183] : memref<16x128xf32, #tpu.memory_space<vmem>> -> memref<1x128xf32, #tpu.memory_space<vmem>>
    %dma_wait3A_1185 = tpu.memref_squeeze %dma_wait3A_1184 : memref<1x128xf32, #tpu.memory_space<vmem>> -> memref<128xf32, #tpu.memory_space<vmem>>
    %dma_wait3A_1186 = arith.constant 0 : i32
    %dma_wait3A_1187 = tpu.memref_slice %arg15[%dma_wait3A_1182, %dma_wait3A_1186] : memref<16x128xi32, #tpu.memory_space<vmem>> -> memref<1x128xi32, #tpu.memory_space<vmem>>
    %dma_wait3A_1188 = tpu.memref_squeeze %dma_wait3A_1187 : memref<1x128xi32, #tpu.memory_space<vmem>> -> memref<128xi32, #tpu.memory_space<vmem>>
    %dma_wait3A_1189 = arith.constant 0 : i32
    %dma_wait3A_1190 = tpu.memref_slice %arg22[%dma_wait3A_1189] : memref<32768xf32, #tpu.memory_space<vmem_shared>> -> memref<32768xf32, #tpu.memory_space<vmem_shared>>
    tpu.wait_indirect_dma semaphore(%arg23 : memref<!tpu.dma_semaphore, #tpu.memory_space<semaphore_mem>>) src(%dma_wait3A_1185 : memref<128xf32, #tpu.memory_space<vmem>>) dst(%dma_wait3A_1190 : memref<32768xf32, #tpu.memory_space<vmem_shared>>)
    %dma_wait3A_1191 = arith.constant 14 : i32
    %dma_wait3A_1192 = arith.constant 14 : i32
    %dma_wait3A_1193 = arith.constant 0 : i32
    %dma_wait3A_1194 = tpu.memref_slice %arg14[%dma_wait3A_1191, %dma_wait3A_1193] : memref<16x128xi32, #tpu.memory_space<vmem>> -> memref<1x128xi32, #tpu.memory_space<vmem>>
    %dma_wait3A_1195 = tpu.memref_squeeze %dma_wait3A_1194 : memref<1x128xi32, #tpu.memory_space<vmem>> -> memref<128xi32, #tpu.memory_space<vmem>>
    %dma_wait3A_1196 = arith.constant 0 : i32
    %dma_wait3A_1197 = tpu.memref_slice %arg15[%dma_wait3A_1192, %dma_wait3A_1196] : memref<16x128xi32, #tpu.memory_space<vmem>> -> memref<1x128xi32, #tpu.memory_space<vmem>>
    %dma_wait3A_1198 = tpu.memref_squeeze %dma_wait3A_1197 : memref<1x128xi32, #tpu.memory_space<vmem>> -> memref<128xi32, #tpu.memory_space<vmem>>
    %dma_wait3A_1199 = arith.constant 0 : i32
    %dma_wait3A_1200 = tpu.memref_slice %arg21[%dma_wait3A_1199] : memref<32768xi32, #tpu.memory_space<vmem_shared>> -> memref<32768xi32, #tpu.memory_space<vmem_shared>>
    tpu.wait_indirect_dma semaphore(%arg23 : memref<!tpu.dma_semaphore, #tpu.memory_space<semaphore_mem>>) src(%dma_wait3A_1195 : memref<128xi32, #tpu.memory_space<vmem>>) dst(%dma_wait3A_1200 : memref<32768xi32, #tpu.memory_space<vmem_shared>>)
    %dma_wait3A_1201 = arith.constant 14 : i32
    %dma_wait3A_1202 = arith.constant 14 : i32
    %dma_wait3A_1203 = arith.constant 0 : i32
    %dma_wait3A_1204 = tpu.memref_slice %arg16[%dma_wait3A_1201, %dma_wait3A_1203] : memref<16x128xf32, #tpu.memory_space<vmem>> -> memref<1x128xf32, #tpu.memory_space<vmem>>
    %dma_wait3A_1205 = tpu.memref_squeeze %dma_wait3A_1204 : memref<1x128xf32, #tpu.memory_space<vmem>> -> memref<128xf32, #tpu.memory_space<vmem>>
    %dma_wait3A_1206 = arith.constant 0 : i32
    %dma_wait3A_1207 = tpu.memref_slice %arg15[%dma_wait3A_1202, %dma_wait3A_1206] : memref<16x128xi32, #tpu.memory_space<vmem>> -> memref<1x128xi32, #tpu.memory_space<vmem>>
    %dma_wait3A_1208 = tpu.memref_squeeze %dma_wait3A_1207 : memref<1x128xi32, #tpu.memory_space<vmem>> -> memref<128xi32, #tpu.memory_space<vmem>>
    %dma_wait3A_1209 = arith.constant 0 : i32
    %dma_wait3A_1210 = tpu.memref_slice %arg22[%dma_wait3A_1209] : memref<32768xf32, #tpu.memory_space<vmem_shared>> -> memref<32768xf32, #tpu.memory_space<vmem_shared>>
    tpu.wait_indirect_dma semaphore(%arg23 : memref<!tpu.dma_semaphore, #tpu.memory_space<semaphore_mem>>) src(%dma_wait3A_1205 : memref<128xf32, #tpu.memory_space<vmem>>) dst(%dma_wait3A_1210 : memref<32768xf32, #tpu.memory_space<vmem_shared>>)
    %dma_wait3A_1211 = arith.constant 15 : i32
    %dma_wait3A_1212 = arith.constant 15 : i32
    %dma_wait3A_1213 = arith.constant 0 : i32
    %dma_wait3A_1214 = tpu.memref_slice %arg14[%dma_wait3A_1211, %dma_wait3A_1213] : memref<16x128xi32, #tpu.memory_space<vmem>> -> memref<1x128xi32, #tpu.memory_space<vmem>>
    %dma_wait3A_1215 = tpu.memref_squeeze %dma_wait3A_1214 : memref<1x128xi32, #tpu.memory_space<vmem>> -> memref<128xi32, #tpu.memory_space<vmem>>
    %dma_wait3A_1216 = arith.constant 0 : i32
    %dma_wait3A_1217 = tpu.memref_slice %arg15[%dma_wait3A_1212, %dma_wait3A_1216] : memref<16x128xi32, #tpu.memory_space<vmem>> -> memref<1x128xi32, #tpu.memory_space<vmem>>
    %dma_wait3A_1218 = tpu.memref_squeeze %dma_wait3A_1217 : memref<1x128xi32, #tpu.memory_space<vmem>> -> memref<128xi32, #tpu.memory_space<vmem>>
    %dma_wait3A_1219 = arith.constant 0 : i32
    %dma_wait3A_1220 = tpu.memref_slice %arg21[%dma_wait3A_1219] : memref<32768xi32, #tpu.memory_space<vmem_shared>> -> memref<32768xi32, #tpu.memory_space<vmem_shared>>
    tpu.wait_indirect_dma semaphore(%arg23 : memref<!tpu.dma_semaphore, #tpu.memory_space<semaphore_mem>>) src(%dma_wait3A_1215 : memref<128xi32, #tpu.memory_space<vmem>>) dst(%dma_wait3A_1220 : memref<32768xi32, #tpu.memory_space<vmem_shared>>)
    %dma_wait3A_1221 = arith.constant 15 : i32
    %dma_wait3A_1222 = arith.constant 15 : i32
    %dma_wait3A_1223 = arith.constant 0 : i32
    %dma_wait3A_1224 = tpu.memref_slice %arg16[%dma_wait3A_1221, %dma_wait3A_1223] : memref<16x128xf32, #tpu.memory_space<vmem>> -> memref<1x128xf32, #tpu.memory_space<vmem>>
    %dma_wait3A_1225 = tpu.memref_squeeze %dma_wait3A_1224 : memref<1x128xf32, #tpu.memory_space<vmem>> -> memref<128xf32, #tpu.memory_space<vmem>>
    %dma_wait3A_1226 = arith.constant 0 : i32
    %dma_wait3A_1227 = tpu.memref_slice %arg15[%dma_wait3A_1222, %dma_wait3A_1226] : memref<16x128xi32, #tpu.memory_space<vmem>> -> memref<1x128xi32, #tpu.memory_space<vmem>>
    %dma_wait3A_1228 = tpu.memref_squeeze %dma_wait3A_1227 : memref<1x128xi32, #tpu.memory_space<vmem>> -> memref<128xi32, #tpu.memory_space<vmem>>
    %dma_wait3A_1229 = arith.constant 0 : i32
    %dma_wait3A_1230 = tpu.memref_slice %arg22[%dma_wait3A_1229] : memref<32768xf32, #tpu.memory_space<vmem_shared>> -> memref<32768xf32, #tpu.memory_space<vmem_shared>>
    tpu.wait_indirect_dma semaphore(%arg23 : memref<!tpu.dma_semaphore, #tpu.memory_space<semaphore_mem>>) src(%dma_wait3A_1225 : memref<128xf32, #tpu.memory_space<vmem>>) dst(%dma_wait3A_1230 : memref<32768xf32, #tpu.memory_space<vmem_shared>>)
    %barrier3A_1231 = arith.constant 0 : index
    tpu.barrier barrier_id(%barrier3A_1231)
    %eq3A_1232 = arith.constant 0 : i32
    %eq3A_1233 = arith.cmpi eq, %arg0, %eq3A_1232 : i32
    %convert_element_type3A_1234 = arith.extui %eq3A_1233 : i1 to i32
    %cond3A_1235 = arith.constant 0 : i32
    %cond3A_1236 = arith.cmpi ne, %convert_element_type3A_1234, %cond3A_1235 : i32
    scf.if %cond3A_1236 {
      "tpu.region"() ({
        %run_scoped3A = tpu.sem_alloc : memref<!tpu.dma_semaphore, #tpu.memory_space<semaphore_mem>>
        %dma_start3A_1242 = tpu.memref_slice %arg21[%mul3A_0] : memref<32768xi32, #tpu.memory_space<vmem_shared>> -> memref<2048xi32, #tpu.memory_space<vmem_shared>>
        %dma_start3A_1243 = tpu.memref_slice %arg21[%mul3A_0] : memref<32768xi32, #tpu.memory_space<vmem_shared>> -> memref<2048xi32, #tpu.memory_space<vmem_shared>>
        tpu.enqueue_dma source(%dma_start3A_1243 : memref<2048xi32, #tpu.memory_space<vmem_shared>>) target(%arg18 : memref<2048xi32, #tpu.memory_space<vmem>>) target_semaphore(%run_scoped3A : memref<!tpu.dma_semaphore, #tpu.memory_space<semaphore_mem>>)
        %dma_wait3A_1244 = tpu.memref_slice %arg21[%mul3A_0] : memref<32768xi32, #tpu.memory_space<vmem_shared>> -> memref<2048xi32, #tpu.memory_space<vmem_shared>>
        %dma_wait3A_1245 = tpu.memref_slice %arg21[%mul3A_0] : memref<32768xi32, #tpu.memory_space<vmem_shared>> -> memref<2048xi32, #tpu.memory_space<vmem_shared>>
        tpu.wait_dma2 semaphore(%run_scoped3A : memref<!tpu.dma_semaphore, #tpu.memory_space<semaphore_mem>>) src(%dma_wait3A_1245 : memref<2048xi32, #tpu.memory_space<vmem_shared>>) dst(%arg18 : memref<2048xi32, #tpu.memory_space<vmem>>)
        tpu.yield
      }) : () -> ()
      "tpu.region"() ({
        %run_scoped3A = tpu.sem_alloc : memref<!tpu.dma_semaphore, #tpu.memory_space<semaphore_mem>>
        %dma_start3A_1242 = tpu.memref_slice %arg5[%mul3A_0] : memref<32768xi32, #tpu.memory_space<hbm>> -> memref<2048xi32, #tpu.memory_space<hbm>>
        %dma_start3A_1243 = tpu.memref_slice %arg5[%mul3A_0] : memref<32768xi32, #tpu.memory_space<hbm>> -> memref<2048xi32, #tpu.memory_space<hbm>>
        tpu.enqueue_dma source(%arg18 : memref<2048xi32, #tpu.memory_space<vmem>>) target(%dma_start3A_1243 : memref<2048xi32, #tpu.memory_space<hbm>>) target_semaphore(%run_scoped3A : memref<!tpu.dma_semaphore, #tpu.memory_space<semaphore_mem>>)
        %dma_wait3A_1244 = tpu.memref_slice %arg5[%mul3A_0] : memref<32768xi32, #tpu.memory_space<hbm>> -> memref<2048xi32, #tpu.memory_space<hbm>>
        %dma_wait3A_1245 = tpu.memref_slice %arg5[%mul3A_0] : memref<32768xi32, #tpu.memory_space<hbm>> -> memref<2048xi32, #tpu.memory_space<hbm>>
        tpu.wait_dma2 semaphore(%run_scoped3A : memref<!tpu.dma_semaphore, #tpu.memory_space<semaphore_mem>>) src(%arg18 : memref<2048xi32, #tpu.memory_space<vmem>>) dst(%dma_wait3A_1245 : memref<2048xi32, #tpu.memory_space<hbm>>)
        tpu.yield
      }) : () -> ()
    } else {
    }
    %eq3A_1237 = arith.constant 1 : i32
    %eq3A_1238 = arith.cmpi eq, %arg0, %eq3A_1237 : i32
    %convert_element_type3A_1239 = arith.extui %eq3A_1238 : i1 to i32
    %cond3A_1240 = arith.constant 0 : i32
    %cond3A_1241 = arith.cmpi ne, %convert_element_type3A_1239, %cond3A_1240 : i32
    scf.if %cond3A_1241 {
      "tpu.region"() ({
        %run_scoped3A = tpu.sem_alloc : memref<!tpu.dma_semaphore, #tpu.memory_space<semaphore_mem>>
        %dma_start3A_1242 = tpu.memref_slice %arg22[%mul3A_0] : memref<32768xf32, #tpu.memory_space<vmem_shared>> -> memref<2048xf32, #tpu.memory_space<vmem_shared>>
        %dma_start3A_1243 = tpu.memref_slice %arg22[%mul3A_0] : memref<32768xf32, #tpu.memory_space<vmem_shared>> -> memref<2048xf32, #tpu.memory_space<vmem_shared>>
        tpu.enqueue_dma source(%dma_start3A_1243 : memref<2048xf32, #tpu.memory_space<vmem_shared>>) target(%arg19 : memref<2048xf32, #tpu.memory_space<vmem>>) target_semaphore(%run_scoped3A : memref<!tpu.dma_semaphore, #tpu.memory_space<semaphore_mem>>)
        %dma_wait3A_1244 = tpu.memref_slice %arg22[%mul3A_0] : memref<32768xf32, #tpu.memory_space<vmem_shared>> -> memref<2048xf32, #tpu.memory_space<vmem_shared>>
        %dma_wait3A_1245 = tpu.memref_slice %arg22[%mul3A_0] : memref<32768xf32, #tpu.memory_space<vmem_shared>> -> memref<2048xf32, #tpu.memory_space<vmem_shared>>
        tpu.wait_dma2 semaphore(%run_scoped3A : memref<!tpu.dma_semaphore, #tpu.memory_space<semaphore_mem>>) src(%dma_wait3A_1245 : memref<2048xf32, #tpu.memory_space<vmem_shared>>) dst(%arg19 : memref<2048xf32, #tpu.memory_space<vmem>>)
        tpu.yield
      }) : () -> ()
      "tpu.region"() ({
        %run_scoped3A = tpu.sem_alloc : memref<!tpu.dma_semaphore, #tpu.memory_space<semaphore_mem>>
        %dma_start3A_1242 = tpu.memref_slice %arg4[%mul3A_0] : memref<32768xf32, #tpu.memory_space<hbm>> -> memref<2048xf32, #tpu.memory_space<hbm>>
        %dma_start3A_1243 = tpu.memref_slice %arg4[%mul3A_0] : memref<32768xf32, #tpu.memory_space<hbm>> -> memref<2048xf32, #tpu.memory_space<hbm>>
        tpu.enqueue_dma source(%arg19 : memref<2048xf32, #tpu.memory_space<vmem>>) target(%dma_start3A_1243 : memref<2048xf32, #tpu.memory_space<hbm>>) target_semaphore(%run_scoped3A : memref<!tpu.dma_semaphore, #tpu.memory_space<semaphore_mem>>)
        %dma_wait3A_1244 = tpu.memref_slice %arg4[%mul3A_0] : memref<32768xf32, #tpu.memory_space<hbm>> -> memref<2048xf32, #tpu.memory_space<hbm>>
        %dma_wait3A_1245 = tpu.memref_slice %arg4[%mul3A_0] : memref<32768xf32, #tpu.memory_space<hbm>> -> memref<2048xf32, #tpu.memory_space<hbm>>
        tpu.wait_dma2 semaphore(%run_scoped3A : memref<!tpu.dma_semaphore, #tpu.memory_space<semaphore_mem>>) src(%arg19 : memref<2048xf32, #tpu.memory_space<vmem>>) dst(%dma_wait3A_1245 : memref<2048xf32, #tpu.memory_space<hbm>>)
        tpu.yield
      }) : () -> ()
    } else {
    }
    return
  }
}

</mosaic_0001>

<sc_bundles>
// kernel: _token_reorder.3.cloned.1.call-start
scs
__scs_entry_jumppad:
0x0: {  	(pc) =	sbr.rel $0x88, $3  }
0x1: {  	(tag) =	ssettag $0x0;
	lr =	simm.s32 $0x1  }
0x2: {  	[smem:$0x3F9F] =	sst lr;
	_ =	strace $0xD0000000  }
0x3: {  	_ = 	snop  }
0x4: {  	_ = 	snop  }
0x5: {  	_ = 	snop  }
0x6: {  	_ = 	snop  }
0x7: {  	_ = 	snop  }
__scs_overlays_trampoline_lowered:
0x8: {  	[smem:$0x3FAE] =	sst s0  }
0x9: {  	[smem:$0x3FAF] =	sst s1  }
0xa: {  	[smem:$0x3FB0] =	sst s2  }
0xb: {  	[smem:$0x3FB1] =	sst s3  }
0xc: {  	[smem:$0x3FB2] =	sst s4  }
0xd: {  	[smem:$0x3FB3] =	sst s5  }
0xe: {  	[smem:$0x3FB4] =	sst s6  }
0xf: {  	[smem:$0x3FB5] =	sst s7  }
0x10: {  	[smem:$0x3FB6] =	sst s8  }
0x11: {  	[smem:$0x3FB7] =	sst s9;
	s0 =	simm.s32 @!p0 $0x0  }
0x12: {  	s1 =	sld [smem:$0x3F9D];
	s0 =	simm.s32 @p0 $0x1  }
0x13: {  	[smem:$0x3FB8] =	sst s0;
	s0 =	simm.s32 @!p1 $0x0  }
0x14: {  	s2 =	sld [smem:$0x3F9C];
	s0 =	simm.s32 @p1 $0x1  }
0x15: {  	[smem:$0x3FB9] =	sst s0;
	s0 =	simm.s32 @!p2 $0x0  }
0x16: {  	s3 =	sld [smem:$0x3FDB];
	s0 =	simm.s32 @p2 $0x1  }
0x17: {  	s4 =	simm.s32 $0x1BF5;
	[smem:$0x3FBB] =	sst s0  }
0x18: {  	s0 =	sld [smem:$0x3F9E];
	_ =	swait.ge [sflag:s4], $0x0  }
0x19: {  	s7 =	sld [smem:$0x3F9F]  }
0x1a: {  	s8 =	sadd.s32 $0xFFFFE003, lr  }
0x1b: {  	s9 =	sadd.s32 $0xFFFFFEF7, lr;
	s5 =	simm.s32 $0xFFFFFFFF;
	p2 =	slt.u32 s8, $0xFFFFF086  }
0x1c: {  	p1 =	slt.u32 s9, $0xF7A;
	s5 =	simm.s32 @!p2 $0x0  }
0x1d: {  	s5 =	simm.s32 @p1 $0x1;
	p0 =	seq.s32 s7, s2  }
0x1e: {  	s7 =	smul.u32 @!p0 $0xF7A, s2;
	p2 =	seq.s32 @!p0 s5, $0x0  }
0x1f: {  	s9 =	smul.u32 $0xF7A, s1;
	s8 =	simm.s32 @!p0 $0x1BF5;
	p2 =	por !p2, p0  }
0x20: {  	[sflag:s8] =	ssyncset.s32 @!p0 $0xFFFFF086;
	s6 =	sadd.s32 @!p0 s3, s7;
	s7 =	simm.s32 @!p0 $0x108  }
0x21: {  	s3 =	sadd.s32 s3, s9;
	s6 =	sadd.s32 @!p0 $0x88, s6;
	s7 =	simm.s32 @p2 $0x1082  }
0x22: {  	[simem:s7], [sflag:s8] =	dma.local @!p0 [hbm:s6], $0xF7A  }
0x23: {  	s9 =	sor.u32 $0xD0000000, s2;
	s6 =	simm.s32 $0x108;
	_ =	swait.ge @!p0 [sflag:s8], $0x0  }
0x24: {  	s3 =	sadd.s32 $0x88, s3;
	s6 =	simm.s32 @!p1 $0x1082;
	[sflag:s4] =	ssyncset.s32 $0xFFFFF086  }
0x25: {  	[simem:s6], [sflag:s4] =	dma.local [hbm:s3], $0xF7A  }
0x26: {  	[smem:$0x3F9F] =	sst s1;
	(tag) =	ssettag s2;
	_ =	strace s9  }
0x27: {  	s1 =	sld [smem:$0x3FAF]  }
0x28: {  	s2 =	sld [smem:$0x3FB0]  }
0x29: {  	s4 =	sld [smem:$0x3FB2]  }
0x2a: {  	p0 =	seq.s32 s5, $0x0;
	s5 =	sld [smem:$0x3FB3]  }
0x2b: {  	s6 =	sld [smem:$0x3FB4]  }
0x2c: {  	s7 =	sld [smem:$0x3FB5]  }
0x2d: {  	s3 =	simm.s32 $0x108;
	s8 =	sld [smem:$0x3FB6]  }
0x2e: {  	s3 =	simm.s32 @!p0 $0x1082;
	s9 =	sld [smem:$0x3FB7]  }
0x2f: {  	lr =	sadd.s32 s0, s3;
	s0 =	sld [smem:$0x3FAE]  }
0x30: {  	s3 =	sld [smem:$0x3FB1]  }
0x31: {  	[smem:$0x3FBA] =	sst s10  }
0x32: {  	s10 =	sld [smem:$0x3FB8];
	_ =	sdelay $0x3  }
0x33: {  	p0 =	seq.s32 s10, $0x1;
	s10 =	sld [smem:$0x3FBA];
	_ =	sdelay $0x3  }
0x34: {  	[smem:$0x3FBA] =	sst s10  }
0x35: {  	s10 =	sld [smem:$0x3FB9];
	_ =	sdelay $0x3  }
0x36: {  	p1 =	seq.s32 s10, $0x1;
	s10 =	sld [smem:$0x3FBA];
	_ =	sdelay $0x3  }
0x37: {  	[smem:$0x3FBA] =	sst s10  }
0x38: {  	s10 =	sld [smem:$0x3FBB]  }
0x39: {  	_ = 	snop;
	(pc) =	sbr.ind lr, $3  }
0x3a: {  	_ = 	snop  }
0x3b: {  	_ = 	snop  }
0x3c: {  	p2 =	seq.s32 s10, $0x1;
	s10 =	sld [smem:$0x3FBA]  }
0x3d: {  	_ =	shalt  }
0x3e: {  	_ =	shalt  }
0x3f: {  	_ =	shalt  }
0x40: {  	_ =	shalt  }
0x41: {  	_ =	shalt  }
0x42: {  	_ =	shalt  }
0x43: {  	_ =	shalt  }
0x44: {  	_ =	shalt  }
0x45: {  	_ =	shalt  }
0x46: {  	_ =	shalt  }
0x47: {  	_ =	shalt  }
0x48: {  	_ =	shalt  }
0x49: {  	_ =	shalt  }
0x4a: {  	_ =	shalt  }
0x4b: {  	_ =	shalt  }
0x4c: {  	_ =	shalt  }
0x4d: {  	_ =	shalt  }
0x4e: {  	_ =	shalt  }
0x4f: {  	_ =	shalt  }
0x50: {  	_ =	shalt  }
0x51: {  	_ =	shalt  }
0x52: {  	_ =	shalt  }
0x53: {  	_ =	shalt  }
0x54: {  	_ =	shalt  }
0x55: {  	_ =	shalt  }
0x56: {  	_ =	shalt  }
0x57: {  	_ =	shalt  }
0x58: {  	_ =	shalt  }
0x59: {  	_ =	shalt  }
0x5a: {  	_ =	shalt  }
0x5b: {  	_ =	shalt  }
0x5c: {  	_ =	shalt  }
0x5d: {  	_ =	shalt  }
0x5e: {  	_ =	shalt  }
0x5f: {  	_ =	shalt  }
0x60: {  	_ =	shalt  }
0x61: {  	_ =	shalt  }
0x62: {  	_ =	shalt  }
0x63: {  	_ =	shalt  }
0x64: {  	_ =	shalt  }
0x65: {  	_ =	shalt  }
0x66: {  	_ =	shalt  }
0x67: {  	_ =	shalt  }
0x68: {  	_ =	shalt  }
0x69: {  	_ =	shalt  }
0x6a: {  	_ =	shalt  }
0x6b: {  	_ =	shalt  }
0x6c: {  	_ =	shalt  }
0x6d: {  	_ =	shalt  }
0x6e: {  	_ =	shalt  }
0x6f: {  	_ =	shalt  }
0x70: {  	_ =	shalt  }
0x71: {  	_ =	shalt  }
0x72: {  	_ =	shalt  }
0x73: {  	_ =	shalt  }
0x74: {  	_ =	shalt  }
0x75: {  	_ =	shalt  }
0x76: {  	_ =	shalt  }
0x77: {  	_ =	shalt  }
0x78: {  	_ =	shalt  }
0x79: {  	_ =	shalt  }
0x7a: {  	_ =	shalt  }
0x7b: {  	_ =	shalt  }
0x7c: {  	_ =	shalt  }
0x7d: {  	_ =	shalt  }
0x7e: {  	_ =	shalt  }
0x7f: {  	_ =	shalt  }
0x80: {  	_ =	shalt  }
0x81: {  	_ =	shalt  }
0x82: {  	_ =	shalt  }
0x83: {  	_ =	shalt  }
0x84: {  	_ =	shalt  }
0x85: {  	_ =	shalt  }
0x86: {  	_ =	shalt  }
0x87: {  	_ =	shalt  }
.Lfunc_end0:
.L_simem_size_0:
called_computation_lowered:
.L_overlay_start_0:
0x88: {  	s2 =	sld [smem:$0x3FD9]  }
0x89: {  	s3 =	sld [smem:$0x3FFE];
	_ =	sdelay $0x1  }
0x8a: {  	s1 =	srdreg.scid  }
0x8b: {  	s0 =	sand.u32 $0x1, s1  }
0x8c: {  	s14 =	sshll.u32 s0, $0xA;
	s2 =	sadd.s32 s3, s2  }
0x8d: {  	s2 =	sadd.s32 s2, s14  }
0x8e: {  	[smem:$0x3FC6] =	sst s2  }
0x8f: {  	_ = 	snop  }
0x90: {  	s2 =	sld [smem:$0x3FD0];
	_ =	sdelay $0x2  }
0x91: {  	s15 =	simm.s32 $0xA;
	s4 =	simm.s32 $0x10  }
0x92: {  	[smem:s4], [sflag:s15] =	dma.local [hbm:s2], $0x1  }
0x93: {  	_ =	swait.eq [sflag:s15], $0x1  }
0x94: {  	s16 =	sld [smem:$0x10];
	[sflag:s15] =	ssyncset.done $0x0  }
0x95: {  	s17 =	sld [smem:$0x11];
	[sflag:s15] =	ssyncadd.s32 $0xFFFFFFFF  }
0x96: {  	s18 =	sld [smem:$0x12];
	(tm) =	ssettm $0x1  }
0x97: {  	s5 =	sld [smem:$0x3FFB];
	_ =	sdelay $0x3  }
0x98: {  	_ =	strace s5  }
0x99: {  	s5 =	sld [smem:$0x3FFC];
	_ =	sdelay $0x3  }
0x9a: {  	_ =	strace s5  }
0x9b: {  	s5 =	sld [smem:$0x3FFD];
	_ =	sdelay $0x3  }
0x9c: {  	_ =	strace s5  }
0x9d: {  	_ =	strace $0x8FFFFFFF  }
0x9e: {  	s19 =	sld [smem:$0x3FDB];
	_ =	sdelay $0x1  }
0x9f: {  	s6 =	simm.s32 $_scs_section_size  }
0xa0: {  	s7 =	simm.s32 $_size__tile_overlayer_lowered;
	s8 =	simm.s32 $_tile_overlayer_lowered  }
0xa1: {  	s22 =	simm.s32 $0x1BFF;
	s21 =	sshll.u32 s8, $0x1;
	s5 =	sadd.s32 s6, s19  }
0xa2: {  	s9 =	simm.s32 $0x0;
	s20 =	sshll.u32 s7, $0x1;
	s7 =	sadd.s32 s21, s5  }
0xa3: {  	[timem:s9], [sflag:s22] =	dma.local [hbm:s7], s20  }
0xa4: {  	_ =	swait.ge [sflag:s22], s20  }
0xa5: {  	s6 =	ssub.s32 $0x0, s20;
	[sflag:s22] =	ssyncset.done $0x0  }
0xa6: {  	[sflag:s22] =	ssyncadd.s32 s6;
	_ =	sdelay $0x1  }
0xa7: {  	s23 =	simm.s32 $0x1B8B  }
0xa8: {  	_ =	swait.ge [sflag:s23], $0x1  }
0xa9: {  	[sflag:s23] =	ssyncset.done $0x0  }
0xaa: {  	s25 =	simm.s32 $0x1B8E;
	s24 =	sld [smem:$0x3FFE];
	[sflag:s23] =	ssyncadd.s32 $0xFFFFFFFF  }
0xab: {  	s26 =	simm.s32 $execute0_lowered;
	[smem:$0x3FD2] =	sst s25  }
0xac: {  	s7 =	sshll.u32 s26, $0x1;
	_ =	strace $0x80000046;
	[dreg:$0x1] =	wrdreg $0xFFFFFFFF  }
0xad: {  	s28 =	simm.s32 $_size_execute0_lowered;
	s5 =	sadd.s32 s5, s7;
	[dreg:$0x0] =	wrdreg $0x0  }
0xae: {  	s7 =	sshll.u32 s28, $0x1;
	[dreg:$0x2] =	wrdreg s5  }
0xaf: {  	[dreg:$0x3] =	wrdreg s7  }
0xb0: {  	[dreg:$0x4] =	wrdreg $0xC0  }
0xb1: {  	_ =	task [dreg:s9], $0x5FFFF  }
0xb2: {  	[dreg:$0x1] =	wrdreg $0xFFFFFFFF  }
0xb3: {  	[dreg:$0x0] =	wrdreg $0x60  }
0xb4: {  	[dreg:$0x2] =	wrdreg s24  }
0xb5: {  	[dreg:$0x3] =	wrdreg s16  }
0xb6: {  	[dreg:$0x4] =	wrdreg s17  }
0xb7: {  	[dreg:$0x5] =	wrdreg s18  }
0xb8: {  	[dreg:$0x6] =	wrdreg $0x59000  }
0xb9: {  	[dreg:$0x7] =	wrdreg $0x59100  }
0xba: {  	[dreg:$0x8] =	wrdreg $0x61100  }
0xbb: {  	[dreg:$0x9] =	wrdreg $0x9  }
0xbc: {  	_ =	task.clear_ibuf [dreg:s9], $0xAFFFF;
	_ =	strace $0x90000046  }
0xbd: {  	s29 =	simm.s32 $0x9;
	_ =	strace $0x80000048  }
0xbe: {  	_ =	swait.ge [sflag:s29], $0x1  }
0xbf: {  	[sflag:s29] =	ssyncadd.s32 $0xFFFFFFFF  }
0xc0: {  	_ =	strace $0x90000048  }
0xc1: {  	_ =	sfence  }
0xc2: {  	s30 =	sld [smem:$0x0];
	_ =	sdelay $0x2  }
0xc3: {  	s31 =	sshll.u32 s1, $0xD;
	s1 =	sshrl.u32 s1, $0x2  }
0xc4: {  	s3 =	sand.u32 $0x4000, s31;
	s1 =	sadd.s32 s1, s30  }
0xc5: {  	s0 =	sor.u32 s3, s0;
	s1 =	sshll.u32 s1, $0x11  }
0xc6: {  	s0 =	sor.u32 s1, s0  }
0xc7: {  	s0 =	sadd.s32 $0x8F2B, s0  }
0xc8: {  	[sflag:s0] =	ssyncadd.remote.s32 $0x1  }
0xc9: {  	_ =	sfence.sel $0xFFFF  }
0xca: {  	[dreg:$0x0] =	wrdreg $0xFFFFFFFF;
	(pc) =	sbr.abs _section_cstart, $3  }
0xcb: {  	[dreg:$0x1] =	wrdreg $0xFFFFFFFF  }
0xcc: {  	_ =	task.clear_ibuf [dreg:s9], $0x2FFFF;
	_ =	strace $0x9FFFFFFF  }
0xcd: {  	(tm) =	ssettm $0x7FFFFFFF  }
tec
execute0_lowered:
.L_overlay_start_1:
0x0: {  	(tag) =	ssettag $0x1  }
0x1: {  	s0 =	rddreg [dreg:$0x0]  }
0x2: {  	s1 =	rddreg [dreg:$0x1]  }
0x3: {  	s2 =	rddreg [dreg:$0x2]  }
0x4: {  	s11 =	rddreg [dreg:$0x4]  }
0x5: {  	s3 =	rddreg [dreg:$0x5]  }
0x6: {  	s4 =	rddreg [dreg:$0x6];
	s5 =	srdreg.scid  }
0x7: {  	s6 =	simm.s32 $0x0;
	s12 =	stileid.u32;
	s14 =	simm.s32 $0x800  }
0x8: {  	s15 =	simm.s32 $0x1000;
	s18 =	simm.s32 $0x2080;
	s19 =	simm.s32 $0x2880  }
0x9: {  	s20 =	simm.s32 $0x3080;
	s21 =	simm.s32 $0x3880;
	s22 =	simm.s32 $0x4080  }
0xa: {  	s31 =	simm.s32 $0x3B80;
	s16 =	simm.s32 $0x3C00;
	s30 =	simm.s32 $0x3C80  }
0xb: {  	s17 =	simm.s32 $0x3D00;
	s28 =	simm.s32 $0x3E00;
	s5 =	sand.u32 $0x1, s5  }
0xc: {  	[smem:$0x7FF] =	sst s6;
	s7 =	sshll.u32 s12, $0x8;
	s10 =	sshll.u32 s12, $0x7  }
0xd: {  	p1 =	seq.s32 s12, $0xF;
	p2 =	sgt.u32 s12, $0x3;
	p3 =	sgt.u32 s12, $0x2  }
0xe: {  	p4 =	sgt.u32 s12, $0x1;
	p5 =	seq.s32 s12, $0x0;
	s8 =	ssub.s32 $0x2, s5  }
0xf: {  	_ =	strace $0x80000047;
	s0 =	sadd.s32 s7, s0;
	s23 =	sadd.s32 s10, s11  }
0x10: {  	s24 =	sor.u32 s12, s5;
	p6 =	sne.s32 s5, $0x0;
	s5 =	simm.s32 $0x3E80  }
0x11: {  	s10 =	simm.s32 $0x1;
	s13 =	sadd.s32 $0x1800, s0;
	s0 =	sadd.s32 $0x800, s0  }
0x12: {  	s11 =	simm.s32 $0x0;
	[dreg:$0x9] =	wrdreg s0;
	s0 =	simm.s32 @!p1 $0x0  }
0x13: {  	[dreg:$0xa] =	wrdreg s23;
	s0 =	simm.s32 @p1 $0x1;
	p1 =	sgt.u32 s12, $0xD  }
0x14: {  	s9 =	sshrl.u32 s8, $0x1;
	[smem:$0x7F3] =	sst s0;
	s0 =	simm.s32 @!p1 $0x0  }
0x15: {  	p0 =	sne.s32 s24, $0x0;
	s0 =	simm.s32 @p1 $0x1;
	p1 =	sgt.u32 s12, $0xC  }
0x16: {  	s2 =	smov.u32 @p6 s1;
	[smem:$0x7F4] =	sst s0;
	s0 =	simm.s32 @!p1 $0x0  }
0x17: {  	s24 =	simm.s32 $0x80;
	s0 =	simm.s32 @p1 $0x1;
	p1 =	sgt.u32 s12, $0xB  }
0x18: {  	s1 =	simm.s32 $0x3D80;
	[smem:$0x7F5] =	sst s0;
	s0 =	simm.s32 @!p1 $0x0  }
0x19: {  	s8 =	ssub.s32 s8, s9;
	s0 =	simm.s32 @p1 $0x1;
	p1 =	sgt.u32 s12, $0xA  }
0x1a: {  	s9 =	sshll.u32 s12, $0xB;
	[smem:$0x7F6] =	sst s0;
	s0 =	simm.s32 @!p1 $0x0  }
0x1b: {  	[dreg:$0x8] =	wrdreg s13;
	s0 =	simm.s32 @p1 $0x1;
	p1 =	sgt.u32 s12, $0x9  }
0x1c: {  	s13 =	simm.s32 $0x2;
	[smem:$0x7F7] =	sst s0;
	s0 =	simm.s32 @!p1 $0x0  }
0x1d: {  	s29 =	sadd.s32 s2, s7;
	s0 =	simm.s32 @p1 $0x1;
	p1 =	sgt.u32 s12, $0x8  }
0x1e: {  	s2 =	simm.s32 $0x3A80;
	[smem:$0x7F8] =	sst s0;
	s0 =	simm.s32 @!p1 $0x0  }
0x1f: {  	s7 =	simm.s32 $0x3F00;
	s0 =	simm.s32 @p1 $0x1;
	p1 =	sgt.u32 s12, $0x7  }
0x20: {  	s25 =	sadd.s32 s9, s4;
	[smem:$0x7F9] =	sst s0;
	s0 =	simm.s32 @!p1 $0x0  }
0x21: {  	[dreg:$0xe] =	wrdreg s29;
	s0 =	simm.s32 @p1 $0x1;
	p1 =	sgt.u32 s12, $0x6  }
0x22: {  	s26 =	sadd.s32 s9, s3;
	[smem:$0x7FA] =	sst s0;
	s0 =	simm.s32 @!p1 $0x0  }
0x23: {  	[dreg:$0xb] =	wrdreg s25;
	s0 =	simm.s32 @p1 $0x1;
	p1 =	sgt.u32 s12, $0x5  }
0x24: {  	s8 =	smax.u32 s8, $0x1;
	[smem:$0x7FB] =	sst s0;
	s0 =	simm.s32 @!p1 $0x0  }
0x25: {  	[dreg:$0xc] =	wrdreg s26;
	s0 =	simm.s32 @p1 $0x1;
	p1 =	sgt.u32 s12, $0x4  }
0x26: {  	v2 =	vlaneseq.u32;
	v0 =	vmov s9;
	s9 =	simm.s32 $0x4000;
	[smem:$0x7FC] =	sst s0;
	s0 =	simm.s32 @!p1 $0x0  }
0x27: {  	v2 =	vmul.u32 $0x80, v2;
	[dreg:$0xd] =	wrdreg s8;
	s26 =	simm.s32 $0x3B00;
	s0 =	simm.s32 @p1 $0x1  }
0x28: {  	v1 =	vimm.s32 $0x0;
	v3 =	vimm.s32 $0x1;
	s8 =	simm.s32 $0x3F80;
	[smem:$0x7FD] =	sst s0;
	s0 =	simm.s32 $0x3A00  }
.LBB2_1:
0x29: {  	s12 =	rddreg [dreg:$0x8]  }
0x2a: {  	[tilespmem:s6], [sflag:$0x2] =	stream.linear.gather [hbm4b:s12+s6], $0x800, $0x38;
	[tilespmem:$0x6910] =	vst v63  }
0x2b: {  	_ =	swait.ge [sflag:s13], $0x800  }
0x2c: {  	[sflag:s13] =	ssyncset.done $0x0  }
0x2d: {  	s25 =	rddreg [dreg:$0x9];
	[sflag:s13] =	ssyncadd.s32 $0xFFFFF800  }
0x2e: {  	[tilespmem:s14], [sflag:$0x2] =	stream.linear.gather [hbm4b:s25+s6], $0x800, $0x38;
	[tilespmem:$0x6910] =	vst v63  }
0x2f: {  	_ =	swait.ge [sflag:s13], $0x800  }
0x30: {  	[sflag:s13] =	ssyncset.done $0x0  }
0x31: {  	[sflag:s13] =	ssyncadd.s32 $0xFFFFF800  }
0x32: {  	[tilespmem:$0x1000] =	vst v1  }
0x33: {  	[tilespmem:$0x1080] =	vst v1  }
0x34: {  	[tilespmem:$0x1100] =	vst v1  }
0x35: {  	[tilespmem:$0x1180] =	vst v1  }
0x36: {  	[tilespmem:$0x1200] =	vst v1  }
0x37: {  	[tilespmem:$0x1280] =	vst v1  }
0x38: {  	[tilespmem:$0x1300] =	vst v1  }
0x39: {  	v4 =	vmov s6;
	[tilespmem:$0x1380] =	vst v1  }
0x3a: {  	v4 =	vand.u32 $0x7E, v4;
	[tilespmem:$0x1400] =	vst v1  }
0x3b: {  	v4 =	vbroadcast v4, $0x0;
	[tilespmem:$0x1480] =	vst v1  }
0x3c: {  	[tilespmem:$0x1500] =	vst v1  }
0x3d: {  	v4 =	vor.u32 v2, v4;
	[tilespmem:$0x1580] =	vst v1  }
0x3e: {  	[tilespmem:$0x1600] =	vst v1  }
0x3f: {  	[tilespmem:$0x1680] =	vst v1  }
0x40: {  	[tilespmem:$0x1700] =	vst v1  }
0x41: {  	[tilespmem:$0x1780] =	vst v1  }
0x42: {  	v4 =	vld.idx.msk [tilespmem:v4+s6+$0x0], $0xffff;
	_ =	sdelay $0x4  }
0x43: {  	s29 =	simm.s32 $0x1;
	v4 =	vadd.s32 v2, v4  }
0x44: {  	v5 =	vor.u32 s29, v2;
	_ =	sdelay $0x3  }
0x45: {  	[tilespmem:v4+s15+$0x0] =	vst.idx.add.s32.msk $0xffff, v3  }
0x46: {  	v4 =	vld.idx.msk [tilespmem:v5+s6+$0x0], $0xffff  }
0x47: {  	s12 =	simm.s32 $0x2  }
0x48: {  	v5 =	vmov s12  }
0x49: {  	v5 =	vand.u32 $0x7E, v5  }
0x4a: {  	v6 =	vbroadcast v5, $0x0  }
0x4b: {  	v5 =	vadd.s32 v2, v4  }
0x4c: {  	s23 =	simm.s32 $0x4;
	v4 =	vor.u32 v2, v6  }
.LBB2_2:
0x4d: {  	_ =	sdelay $0x2  }
0x4e: {  	p1 =	sne.s32 s23, $0x7E;
	[tilespmem:v5+s15+$0x0] =	vst.idx.add.s32.msk $0xffff, v3;
	s25 =	smov.u32 s23;
	s23 =	sadd.s32 $0x2, s23  }
0x4f: {  	v4 =	vld.idx.msk [tilespmem:v4+s6+$0x0], $0xffff;
	_ =	sdelay $0x5  }
0x50: {  	s29 =	sadd.s32 $0x1, s12;
	s12 =	smov.u32 s25;
	v4 =	vadd.s32 v2, v4  }
0x51: {  	v5 =	vor.u32 s29, v2;
	_ =	sdelay $0x3  }
0x52: {  	[tilespmem:v4+s15+$0x0] =	vst.idx.add.s32.msk $0xffff, v3  }
0x53: {  	v4 =	vld.idx.msk [tilespmem:v5+s6+$0x0], $0xffff;
	_ =	sdelay $0x2  }
.Ltmp0:
0x54: {  	v5 =	vmov s12;
	(pc) =	sbr.rel @p1 .LBB2_2-.Ltmp0, $4  }
0x55: {  	v5 =	vand.u32 $0x7E, v5  }
0x56: {  	v6 =	vbroadcast v5, $0x0  }
0x57: {  	v5 =	vadd.s32 v2, v4  }
0x58: {  	v4 =	vor.u32 v2, v6  }
0x59: {  	_ =	sdelay $0x3  }
0x5a: {  	[tilespmem:v5+s15+$0x0] =	vst.idx.add.s32.msk $0xffff, v3  }
0x5b: {  	v4 =	vld.idx.msk [tilespmem:v4+s6+$0x0], $0xffff;
	_ =	sdelay $0x4  }
0x5c: {  	s12 =	sadd.s32 $0x1, s12;
	v4 =	vadd.s32 v2, v4  }
0x5d: {  	v5 =	vor.u32 s12, v2;
	_ =	sdelay $0x3  }
0x5e: {  	[tilespmem:v4+s15+$0x0] =	vst.idx.add.s32.msk $0xffff, v3  }
0x5f: {  	v4 =	vld.idx.msk [tilespmem:v5+s6+$0x0], $0xffff;
	_ =	sdelay $0x4  }
0x60: {  	v4 =	vadd.s32 v2, v4;
	_ =	sdelay $0x4  }
0x61: {  	[tilespmem:v4+s15+$0x0] =	vst.idx.add.s32.msk $0xffff, v3  }
0x62: {  	v4 =	vld [tilespmem:$0x1000]  }
0x63: {  	v5 =	vld [tilespmem:$0x1080]  }
0x64: {  	v6 =	vld [tilespmem:$0x1100]  }
0x65: {  	v7 =	vld [tilespmem:$0x1180]  }
0x66: {  	v8 =	vld [tilespmem:$0x1200]  }
0x67: {  	v9 =	vld [tilespmem:$0x1280]  }
0x68: {  	v4 =	vadd.s32 v4, v5;
	v5 =	vld [tilespmem:$0x1300]  }
0x69: {  	v19 =	vld [tilespmem:$0x1380];
	v4 =	vadd.s32 v6, v4  }
0x6a: {  	v20 =	vld [tilespmem:$0x1400];
	v4 =	vadd.s32 v7, v4  }
0x6b: {  	v21 =	vld [tilespmem:$0x1480];
	v4 =	vadd.s32 v8, v4  }
0x6c: {  	v22 =	vld [tilespmem:$0x1500];
	v4 =	vadd.s32 v9, v4  }
0x6d: {  	v4 =	vadd.s32 v5, v4;
	v5 =	vld [tilespmem:$0x1580]  }
0x6e: {  	v23 =	vld [tilespmem:$0x1600];
	v4 =	vadd.s32 v19, v4  }
0x6f: {  	v24 =	vld [tilespmem:$0x1680];
	v4 =	vadd.s32 v20, v4  }
0x70: {  	v25 =	vld [tilespmem:$0x1700];
	v4 =	vadd.s32 v21, v4  }
0x71: {  	v26 =	vld [tilespmem:$0x1780];
	v4 =	vadd.s32 v22, v4  }
0x72: {  	v4 =	vadd.s32 v5, v4  }
0x73: {  	v4 =	vadd.s32 v23, v4  }
0x74: {  	v4 =	vadd.s32 v24, v4  }
0x75: {  	v4 =	vadd.s32 v25, v4  }
0x76: {  	v4 =	vadd.s32 v26, v4  }
0x77: {  	s29 =	rddreg [dreg:$0xa];
	s23 =	simm.s32 $0x1800;
	[tilespmem:$0x1800] =	vst v4  }
0x78: {  	[spmem:s29] =	stream.linear.scatter [tilespmem:s23], [sflag:$0x2], $0x80, $0x38;
	[tilespmem:$0x6910] =	vst v63  }
0x79: {  	_ =	swait.ge [sflag:s13], $0x80  }
0x7a: {  	[sflag:s13] =	ssyncset.done $0x0  }
0x7b: {  	[sflag:s13] =	ssyncadd.s32 $0xFFFFFF80  }
0x7c: {  	[bflag:$0x0] =	sbarrier.arrive $0xFFFF  }
0x7d: {  	s29 =	simm.s32 $0x1880;
	s25 =	rddreg [dreg:$0x4]  }
0x7e: {  	[tilespmem:s29], [sflag:$0x2] =	stream.linear.gather [spmem:s25], $0x800, $0x38;
	[tilespmem:$0x6910] =	vst v63  }
0x7f: {  	_ =	swait.ge [sflag:s13], $0x800  }
0x80: {  	[sflag:s13] =	ssyncset.done $0x0  }
0x81: {  	[sflag:s13] =	ssyncadd.s32 $0xFFFFF800  }
0x82: {  	v5 =	vld [tilespmem:$0x1880]  }
0x83: {  	v27 =	vld [tilespmem:$0x1900]  }
0x84: {  	v28 =	vld [tilespmem:$0x1980]  }
0x85: {  	v29 =	vld [tilespmem:$0x1A00]  }
0x86: {  	v30 =	vld [tilespmem:$0x1A80]  }
0x87: {  	v10 =	vld [tilespmem:$0x1B00]  }
0x88: {  	v12 =	vld [tilespmem:$0x1B80];
	v11 =	vadd.s32 v5, v27  }
0x89: {  	v13 =	vld [tilespmem:$0x1C00];
	v11 =	vadd.s32 v28, v11  }
0x8a: {  	v14 =	vld [tilespmem:$0x1C80];
	v11 =	vadd.s32 v29, v11  }
0x8b: {  	v15 =	vld [tilespmem:$0x1D00];
	v11 =	vadd.s32 v30, v11  }
0x8c: {  	v16 =	vld [tilespmem:$0x1D80];
	v11 =	vadd.s32 v10, v11  }
0x8d: {  	v17 =	vld [tilespmem:$0x1E00];
	v11 =	vadd.s32 v12, v11  }
0x8e: {  	v18 =	vld [tilespmem:$0x1E80];
	v11 =	vadd.s32 v13, v11  }
0x8f: {  	s25 =	sld [smem:$0x7FD];
	v19 =	vld [tilespmem:$0x1F00];
	v11 =	vadd.s32 v14, v11  }
0x90: {  	s29 =	sld [smem:$0x7FC];
	v20 =	vld [tilespmem:$0x1F80];
	v5 =	vpsel p5, $0x0, v5;
	v6 =	vpsel !p4, $0x0, v27;
	v11 =	vadd.s32 v15, v11  }
0x91: {  	s23 =	sld [smem:$0x7FB];
	v33 =	vld [tilespmem:$0x2000];
	v31 =	vpsel !p3, $0x0, v28;
	v5 =	vadd.s32 v5, v6;
	v32 =	vadd.s32 v16, v11  }
0x92: {  	p1 =	seq.s32 s25, $0x1;
	s25 =	sld [smem:$0x7FA];
	v34 =	vpsel !p2, $0x0, v29;
	v5 =	vadd.s32 v31, v5;
	v7 =	vadd.s32 v17, v32  }
0x93: {  	v35 =	vpsel !p1, $0x0, v30;
	p1 =	seq.s32 s29, $0x1;
	s29 =	sld [smem:$0x7F9];
	v5 =	vadd.s32 v34, v5;
	v7 =	vadd.s32 v18, v7  }
0x94: {  	v36 =	vpsel !p1, $0x0, v10;
	p1 =	seq.s32 s23, $0x1;
	s23 =	sld [smem:$0x7F8];
	v5 =	vadd.s32 v35, v5;
	v7 =	vadd.s32 v19, v7  }
0x95: {  	v37 =	vpsel !p1, $0x0, v12;
	p1 =	seq.s32 s25, $0x1;
	s25 =	sld [smem:$0x7F7];
	v5 =	vadd.s32 v36, v5;
	v7 =	vadd.s32 v20, v7  }
0x96: {  	v38 =	vpsel !p1, $0x0, v13;
	p1 =	seq.s32 s29, $0x1;
	s29 =	sld [smem:$0x7F6];
	v5 =	vadd.s32 v37, v5;
	v6 =	vadd.s32 v33, v7  }
0x97: {  	v39 =	vpsel !p1, $0x0, v14;
	p1 =	seq.s32 s23, $0x1;
	s23 =	sld [smem:$0x7F5];
	v5 =	vadd.s32 v38, v5;
	(xrf0) =	vadd.scan.msk.s32 $0xffff, v6  }
0x98: {  	v40 =	vpsel !p1, $0x0, v15;
	p1 =	seq.s32 s25, $0x1;
	s25 =	sld [smem:$0x7F4];
	v5 =	vadd.s32 v39, v5;
	(xrf0) =	vadd.scan.msk.s32 $0xffff, v4  }
0x99: {  	v41 =	vpsel !p1, $0x0, v16;
	p1 =	seq.s32 s29, $0x1;
	s29 =	sld [smem:$0x7F3];
	v5 =	vadd.s32 v40, v5  }
0x9a: {  	v42 =	vpsel !p1, $0x0, v17;
	p1 =	seq.s32 s23, $0x1;
	v5 =	vadd.s32 v41, v5  }
0x9b: {  	v43 =	vpsel !p1, $0x0, v18;
	p1 =	seq.s32 s25, $0x1;
	v5 =	vadd.s32 v42, v5  }
0x9c: {  	v45 =	vld [tilespmem:$0x1000];
	v44 =	vpsel !p1, $0x0, v19;
	p1 =	seq.s32 s29, $0x1;
	v5 =	vadd.s32 v43, v5  }
0x9d: {  	v47 =	vpsel !p1, $0x0, v20;
	v5 =	vadd.s32 v44, v5;
	v46, _, _ =	vpop (xrf0)  }
0x9e: {  	v5 =	vadd.s32 v47, v5;
	v48 =	vsub.s32 v46, v6;
	v49, _, _ =	vpop (xrf0)  }
0x9f: {  	v5 =	vadd.s32 v48, v5;
	v4 =	vsub.s32 v4, v49  }
0xa0: {  	[tilespmem:$0x2080] =	vst v5;
	v4 =	vadd.s32 v4, v5  }
0xa1: {  	v5 =	vadd.s32 v45, v5;
	[tilespmem:$0x2880] =	vst v4  }
0xa2: {  	[tilespmem:$0x2100] =	vst v5  }
0xa3: {  	[tilespmem:$0x2900] =	vst v4  }
0xa4: {  	[tilespmem:$0x2980] =	vst v4  }
0xa5: {  	[tilespmem:$0x2A00] =	vst v4  }
0xa6: {  	[tilespmem:$0x2A80] =	vst v4  }
0xa7: {  	[tilespmem:$0x2B00] =	vst v4  }
0xa8: {  	[tilespmem:$0x2B80] =	vst v4  }
0xa9: {  	[tilespmem:$0x2C00] =	vst v4  }
0xaa: {  	[tilespmem:$0x2C80] =	vst v4  }
0xab: {  	v50 =	vld [tilespmem:$0x1080];
	[tilespmem:$0x2D00] =	vst v4  }
0xac: {  	v51 =	vld [tilespmem:$0x1100];
	[tilespmem:$0x2D80] =	vst v4  }
0xad: {  	v52 =	vld [tilespmem:$0x1180];
	[tilespmem:$0x2E00] =	vst v4  }
0xae: {  	v53 =	vld [tilespmem:$0x1200];
	[tilespmem:$0x2E80] =	vst v4  }
0xaf: {  	v54 =	vld [tilespmem:$0x1280];
	[tilespmem:$0x2F00] =	vst v4  }
0xb0: {  	v55 =	vld [tilespmem:$0x1300];
	v5 =	vadd.s32 v50, v5;
	[tilespmem:$0x2F80] =	vst v4  }
0xb1: {  	v56 =	vld [tilespmem:$0x1380];
	[tilespmem:$0x2180] =	vst v5;
	v5 =	vadd.s32 v5, v51  }
0xb2: {  	v57 =	vld [tilespmem:$0x1400];
	[tilespmem:$0x2200] =	vst v5;
	v5 =	vadd.s32 v5, v52  }
0xb3: {  	v58 =	vld [tilespmem:$0x1480];
	[tilespmem:$0x2280] =	vst v5;
	v5 =	vadd.s32 v5, v53  }
0xb4: {  	v59 =	vld [tilespmem:$0x1500];
	[tilespmem:$0x2300] =	vst v5;
	v5 =	vadd.s32 v5, v54  }
0xb5: {  	v60 =	vld [tilespmem:$0x1580];
	[tilespmem:$0x2380] =	vst v5;
	v5 =	vadd.s32 v5, v55  }
0xb6: {  	v61 =	vld [tilespmem:$0x1600];
	[tilespmem:$0x2400] =	vst v5;
	v5 =	vadd.s32 v5, v56  }
0xb7: {  	v62 =	vld [tilespmem:$0x1680];
	[tilespmem:$0x2480] =	vst v5;
	v5 =	vadd.s32 v5, v57  }
0xb8: {  	v63 =	vld [tilespmem:$0x1700];
	[tilespmem:$0x2500] =	vst v5;
	v5 =	vadd.s32 v5, v58  }
0xb9: {  	[tilespmem:$0x2580] =	vst v5;
	v5 =	vadd.s32 v5, v59  }
0xba: {  	[tilespmem:$0x2600] =	vst v5;
	v5 =	vadd.s32 v5, v60  }
0xbb: {  	[tilespmem:$0x2680] =	vst v5;
	v5 =	vadd.s32 v5, v61  }
0xbc: {  	[tilespmem:$0x2700] =	vst v5;
	v5 =	vadd.s32 v5, v62  }
0xbd: {  	[tilespmem:$0x2780] =	vst v5;
	v5 =	vadd.s32 v5, v63  }
0xbe: {  	[tilespmem:$0x2800] =	vst v5;
	v5 =	vcvt.s32.f32 @!p0 v6  }
0xbf: {  	[tilespmem:$0x3000] =	vst v4  }
0xc0: {  	s12 =	simm.s32 @!p0 $0x0;
	s23 =	simm.s32 @!p0 $0x4880;
	s25 =	rddreg [dreg:$0x3];
	[tilespmem:$0x4880] =	vst @!p0 v5  }
0xc1: {  	[hbm4b:s25+s12] =	stream.linear.scatter @!p0 [tilespmem:s23], [sflag:$0x2], $0x80, $0x38;
	[tilespmem:$0x6910] =	vst v63  }
0xc2: {  	s12 =	simm.s32 @!p0 $0x2  }
0xc3: {  	_ =	swait.ge @!p0 [sflag:s12], $0x80  }
0xc4: {  	[sflag:s12] =	ssyncset.done @!p0 $0x0  }
0xc5: {  	[sflag:s12] =	ssyncadd.s32 @!p0 $0xFFFFFF80;
	s12 =	simm.s32 $0x0  }
.LBB2_4:
0xc6: {  	v4 =	vor.u32 s12, v2;
	_ =	sdelay $0x4  }
0xc7: {  	v5 =	vld.idx.msk [tilespmem:v4+s6+$0x0], $0xffff;
	_ =	sdelay $0x4  }
0xc8: {  	v5 =	vadd.s32 v2, v5;
	_ =	sdelay $0x4  }
0xc9: {  	v6 =	vld.idx.msk [tilespmem:v5+s18+$0x0], $0xffff  }
0xca: {  	v7 =	vld.idx.msk [tilespmem:v5+s19+$0x0], $0xffff;
	_ =	sdelay $0x4  }
0xcb: {  	v7 =	vsub.s32 v6, v7;
	_ =	sdelay $0x1  }
0xcc: {  	v8 =	vld.idx.msk [tilespmem:v4+s14+$0x0], $0xffff  }
0xcd: {  	s23 =	sadd.s32 $0x1, s12  }
0xce: {  	v9 =	vor.u32 s23, v2;
	v4 =	vor.u32 v0, v4  }
0xcf: {  	[tilespmem:v7+s20+$0x0] =	vst.idx.msk $0xffff, v4  }
0xd0: {  	[tilespmem:v7+s21+$0x0] =	vst.idx.msk $0xffff, v6  }
0xd1: {  	[tilespmem:v7+s22+$0x0] =	vst.idx.msk $0xffff, v8  }
0xd2: {  	[tilespmem:v5+s18+$0x0] =	vst.idx.add.s32.msk $0xffff, v3  }
0xd3: {  	v4 =	vld.idx.msk [tilespmem:v9+s6+$0x0], $0xffff;
	_ =	sdelay $0x4  }
0xd4: {  	v4 =	vadd.s32 v2, v4;
	_ =	sdelay $0x4  }
0xd5: {  	v5 =	vld.idx.msk [tilespmem:v4+s18+$0x0], $0xffff  }
0xd6: {  	v6 =	vld.idx.msk [tilespmem:v4+s19+$0x0], $0xffff;
	_ =	sdelay $0x4  }
0xd7: {  	v6 =	vsub.s32 v5, v6;
	_ =	sdelay $0x1  }
0xd8: {  	v7 =	vld.idx.msk [tilespmem:v9+s14+$0x0], $0xffff  }
0xd9: {  	p1 =	sne.s32 s12, $0x7E  }
.Ltmp1:
0xda: {  	v63 =	vor.u32 v0, v9;
	(pc) =	sbr.rel @p1 .LBB2_4-.Ltmp1, $4  }
0xdb: {  	[tilespmem:v6+s20+$0x0] =	vst.idx.msk $0xffff, v63  }
0xdc: {  	[tilespmem:v6+s21+$0x0] =	vst.idx.msk $0xffff, v5  }
0xdd: {  	[tilespmem:v6+s22+$0x0] =	vst.idx.msk $0xffff, v7  }
0xde: {  	s12 =	sadd.s32 $0x2, s12;
	[tilespmem:v4+s18+$0x0] =	vst.idx.add.s32.msk $0xffff, v3  }
0xdf: {  	[spmem:s3] =	stream.indirect.scatter [tilespmem:s20], [sflag:$0x1], $0x1, s21, s24, $0xb8;
	[tilespmem:$0x6910] =	vst v63  }
0xe0: {  	_ = 	snop  }
0xe1: {  	[spmem:s4] =	stream.indirect.scatter [tilespmem:s22], [sflag:$0x1], $0x1, s21, s24, $0xb8;
	[tilespmem:$0x6910] =	vst v63  }
0xe2: {  	s12 =	simm.s32 $0x3900;
	s23 =	simm.s32 $0x3100  }
0xe3: {  	[spmem:s3] =	stream.indirect.scatter [tilespmem:s23], [sflag:$0x1], $0x1, s12, s24, $0xb8;
	[tilespmem:$0x6910] =	vst v63  }
0xe4: {  	s25 =	simm.s32 $0x4100  }
0xe5: {  	[spmem:s4] =	stream.indirect.scatter [tilespmem:s25], [sflag:$0x1], $0x1, s12, s24, $0xb8;
	[tilespmem:$0x6910] =	vst v63  }
0xe6: {  	s29 =	simm.s32 $0x3180;
	s12 =	simm.s32 $0x3980  }
0xe7: {  	[spmem:s3] =	stream.indirect.scatter [tilespmem:s29], [sflag:$0x1], $0x1, s12, s24, $0xb8;
	[tilespmem:$0x6910] =	vst v63  }
0xe8: {  	s25 =	simm.s32 $0x4180  }
0xe9: {  	[spmem:s4] =	stream.indirect.scatter [tilespmem:s25], [sflag:$0x1], $0x1, s12, s24, $0xb8;
	[tilespmem:$0x6910] =	vst v63  }
0xea: {  	s29 =	simm.s32 $0x3200  }
0xeb: {  	[spmem:s3] =	stream.indirect.scatter [tilespmem:s29], [sflag:$0x1], $0x1, s0, s24, $0xb8;
	[tilespmem:$0x6910] =	vst v63  }
0xec: {  	s23 =	simm.s32 $0x4200  }
0xed: {  	[spmem:s4] =	stream.indirect.scatter [tilespmem:s23], [sflag:$0x1], $0x1, s0, s24, $0xb8;
	[tilespmem:$0x6910] =	vst v63  }
0xee: {  	s25 =	simm.s32 $0x3280  }
0xef: {  	[spmem:s3] =	stream.indirect.scatter [tilespmem:s25], [sflag:$0x1], $0x1, s2, s24, $0xb8;
	[tilespmem:$0x6910] =	vst v63  }
0xf0: {  	s29 =	simm.s32 $0x4280  }
0xf1: {  	[spmem:s4] =	stream.indirect.scatter [tilespmem:s29], [sflag:$0x1], $0x1, s2, s24, $0xb8;
	[tilespmem:$0x6910] =	vst v63  }
0xf2: {  	s23 =	simm.s32 $0x3300  }
0xf3: {  	[spmem:s3] =	stream.indirect.scatter [tilespmem:s23], [sflag:$0x1], $0x1, s26, s24, $0xb8;
	[tilespmem:$0x6910] =	vst v63  }
0xf4: {  	s25 =	simm.s32 $0x4300  }
0xf5: {  	[spmem:s4] =	stream.indirect.scatter [tilespmem:s25], [sflag:$0x1], $0x1, s26, s24, $0xb8;
	[tilespmem:$0x6910] =	vst v63  }
0xf6: {  	s29 =	simm.s32 $0x3380  }
0xf7: {  	[spmem:s3] =	stream.indirect.scatter [tilespmem:s29], [sflag:$0x1], $0x1, s31, s24, $0xb8;
	[tilespmem:$0x6910] =	vst v63  }
0xf8: {  	s23 =	simm.s32 $0x4380  }
0xf9: {  	[spmem:s4] =	stream.indirect.scatter [tilespmem:s23], [sflag:$0x1], $0x1, s31, s24, $0xb8;
	[tilespmem:$0x6910] =	vst v63  }
0xfa: {  	s25 =	simm.s32 $0x3400  }
0xfb: {  	[spmem:s3] =	stream.indirect.scatter [tilespmem:s25], [sflag:$0x1], $0x1, s16, s24, $0xb8;
	[tilespmem:$0x6910] =	vst v63  }
0xfc: {  	s29 =	simm.s32 $0x4400  }
0xfd: {  	[spmem:s4] =	stream.indirect.scatter [tilespmem:s29], [sflag:$0x1], $0x1, s16, s24, $0xb8;
	[tilespmem:$0x6910] =	vst v63  }
0xfe: {  	s23 =	simm.s32 $0x3480  }
0xff: {  	[spmem:s3] =	stream.indirect.scatter [tilespmem:s23], [sflag:$0x1], $0x1, s30, s24, $0xb8;
	[tilespmem:$0x6910] =	vst v63  }
0x100: {  	s25 =	simm.s32 $0x4480  }
0x101: {  	[spmem:s4] =	stream.indirect.scatter [tilespmem:s25], [sflag:$0x1], $0x1, s30, s24, $0xb8;
	[tilespmem:$0x6910] =	vst v63  }
0x102: {  	s29 =	simm.s32 $0x3500  }
0x103: {  	[spmem:s3] =	stream.indirect.scatter [tilespmem:s29], [sflag:$0x1], $0x1, s17, s24, $0xb8;
	[tilespmem:$0x6910] =	vst v63  }
0x104: {  	s23 =	simm.s32 $0x4500  }
0x105: {  	[spmem:s4] =	stream.indirect.scatter [tilespmem:s23], [sflag:$0x1], $0x1, s17, s24, $0xb8;
	[tilespmem:$0x6910] =	vst v63  }
0x106: {  	s25 =	simm.s32 $0x3580  }
0x107: {  	[spmem:s3] =	stream.indirect.scatter [tilespmem:s25], [sflag:$0x1], $0x1, s1, s24, $0xb8;
	[tilespmem:$0x6910] =	vst v63  }
0x108: {  	s29 =	simm.s32 $0x4580  }
0x109: {  	[spmem:s4] =	stream.indirect.scatter [tilespmem:s29], [sflag:$0x1], $0x1, s1, s24, $0xb8;
	[tilespmem:$0x6910] =	vst v63  }
0x10a: {  	s23 =	simm.s32 $0x3600  }
0x10b: {  	[spmem:s3] =	stream.indirect.scatter [tilespmem:s23], [sflag:$0x1], $0x1, s28, s24, $0xb8;
	[tilespmem:$0x6910] =	vst v63  }
0x10c: {  	s25 =	simm.s32 $0x4600  }
0x10d: {  	[spmem:s4] =	stream.indirect.scatter [tilespmem:s25], [sflag:$0x1], $0x1, s28, s24, $0xb8;
	[tilespmem:$0x6910] =	vst v63  }
0x10e: {  	s29 =	simm.s32 $0x3680  }
0x10f: {  	[spmem:s3] =	stream.indirect.scatter [tilespmem:s29], [sflag:$0x1], $0x1, s5, s24, $0xb8;
	[tilespmem:$0x6910] =	vst v63  }
0x110: {  	s23 =	simm.s32 $0x4680  }
0x111: {  	[spmem:s4] =	stream.indirect.scatter [tilespmem:s23], [sflag:$0x1], $0x1, s5, s24, $0xb8;
	[tilespmem:$0x6910] =	vst v63  }
0x112: {  	s25 =	simm.s32 $0x3700  }
0x113: {  	[spmem:s3] =	stream.indirect.scatter [tilespmem:s25], [sflag:$0x1], $0x1, s7, s24, $0xb8;
	[tilespmem:$0x6910] =	vst v63  }
0x114: {  	s29 =	simm.s32 $0x4700  }
0x115: {  	[spmem:s4] =	stream.indirect.scatter [tilespmem:s29], [sflag:$0x1], $0x1, s7, s24, $0xb8;
	[tilespmem:$0x6910] =	vst v63  }
0x116: {  	s23 =	simm.s32 $0x3780  }
0x117: {  	[spmem:s3] =	stream.indirect.scatter [tilespmem:s23], [sflag:$0x1], $0x1, s8, s24, $0xb8;
	[tilespmem:$0x6910] =	vst v63  }
0x118: {  	s25 =	simm.s32 $0x4780  }
0x119: {  	[spmem:s4] =	stream.indirect.scatter [tilespmem:s25], [sflag:$0x1], $0x1, s8, s24, $0xb8;
	[tilespmem:$0x6910] =	vst v63  }
0x11a: {  	s29 =	simm.s32 $0x3800  }
0x11b: {  	[spmem:s3] =	stream.indirect.scatter [tilespmem:s29], [sflag:$0x1], $0x1, s9, s24, $0xb8;
	[tilespmem:$0x6910] =	vst v63  }
0x11c: {  	s23 =	simm.s32 $0x4800  }
0x11d: {  	[spmem:s4] =	stream.indirect.scatter [tilespmem:s23], [sflag:$0x1], $0x1, s9, s24, $0xb8;
	[tilespmem:$0x6910] =	vst v63  }
0x11e: {  	_ =	swait.ge [sflag:s10], $0x80  }
0x11f: {  	[sflag:s10] =	ssyncset.done $0x0  }
0x120: {  	[sflag:s10] =	ssyncadd.s32 $0xFFFFFF80  }
0x121: {  	_ =	swait.ge [sflag:s10], $0x80  }
0x122: {  	[sflag:s10] =	ssyncset.done $0x0  }
0x123: {  	[sflag:s10] =	ssyncadd.s32 $0xFFFFFF80  }
0x124: {  	_ =	swait.ge [sflag:s10], $0x80  }
0x125: {  	[sflag:s10] =	ssyncset.done $0x0  }
0x126: {  	[sflag:s10] =	ssyncadd.s32 $0xFFFFFF80  }
0x127: {  	_ =	swait.ge [sflag:s10], $0x80  }
0x128: {  	[sflag:s10] =	ssyncset.done $0x0  }
0x129: {  	[sflag:s10] =	ssyncadd.s32 $0xFFFFFF80  }
0x12a: {  	_ =	swait.ge [sflag:s10], $0x80  }
0x12b: {  	[sflag:s10] =	ssyncset.done $0x0  }
0x12c: {  	[sflag:s10] =	ssyncadd.s32 $0xFFFFFF80  }
0x12d: {  	_ =	swait.ge [sflag:s10], $0x80  }
0x12e: {  	[sflag:s10] =	ssyncset.done $0x0  }
0x12f: {  	[sflag:s10] =	ssyncadd.s32 $0xFFFFFF80  }
0x130: {  	_ =	swait.ge [sflag:s10], $0x80  }
0x131: {  	[sflag:s10] =	ssyncset.done $0x0  }
0x132: {  	[sflag:s10] =	ssyncadd.s32 $0xFFFFFF80  }
0x133: {  	_ =	swait.ge [sflag:s10], $0x80  }
0x134: {  	[sflag:s10] =	ssyncset.done $0x0  }
0x135: {  	[sflag:s10] =	ssyncadd.s32 $0xFFFFFF80  }
0x136: {  	_ =	swait.ge [sflag:s10], $0x80  }
0x137: {  	[sflag:s10] =	ssyncset.done $0x0  }
0x138: {  	[sflag:s10] =	ssyncadd.s32 $0xFFFFFF80  }
0x139: {  	_ =	swait.ge [sflag:s10], $0x80  }
0x13a: {  	[sflag:s10] =	ssyncset.done $0x0  }
0x13b: {  	[sflag:s10] =	ssyncadd.s32 $0xFFFFFF80  }
0x13c: {  	_ =	swait.ge [sflag:s10], $0x80  }
0x13d: {  	[sflag:s10] =	ssyncset.done $0x0  }
0x13e: {  	[sflag:s10] =	ssyncadd.s32 $0xFFFFFF80  }
0x13f: {  	_ =	swait.ge [sflag:s10], $0x80  }
0x140: {  	[sflag:s10] =	ssyncset.done $0x0  }
0x141: {  	[sflag:s10] =	ssyncadd.s32 $0xFFFFFF80  }
0x142: {  	_ =	swait.ge [sflag:s10], $0x80  }
0x143: {  	[sflag:s10] =	ssyncset.done $0x0  }
0x144: {  	[sflag:s10] =	ssyncadd.s32 $0xFFFFFF80  }
0x145: {  	_ =	swait.ge [sflag:s10], $0x80  }
0x146: {  	[sflag:s10] =	ssyncset.done $0x0  }
0x147: {  	[sflag:s10] =	ssyncadd.s32 $0xFFFFFF80  }
0x148: {  	_ =	swait.ge [sflag:s10], $0x80  }
0x149: {  	[sflag:s10] =	ssyncset.done $0x0  }
0x14a: {  	[sflag:s10] =	ssyncadd.s32 $0xFFFFFF80  }
0x14b: {  	_ =	swait.ge [sflag:s10], $0x80  }
0x14c: {  	[sflag:s10] =	ssyncset.done $0x0  }
0x14d: {  	[sflag:s10] =	ssyncadd.s32 $0xFFFFFF80  }
0x14e: {  	_ =	swait.ge [sflag:s10], $0x80  }
0x14f: {  	[sflag:s10] =	ssyncset.done $0x0  }
0x150: {  	[sflag:s10] =	ssyncadd.s32 $0xFFFFFF80  }
0x151: {  	_ =	swait.ge [sflag:s10], $0x80  }
0x152: {  	[sflag:s10] =	ssyncset.done $0x0  }
0x153: {  	[sflag:s10] =	ssyncadd.s32 $0xFFFFFF80  }
0x154: {  	_ =	swait.ge [sflag:s10], $0x80  }
0x155: {  	[sflag:s10] =	ssyncset.done $0x0  }
0x156: {  	[sflag:s10] =	ssyncadd.s32 $0xFFFFFF80  }
0x157: {  	_ =	swait.ge [sflag:s10], $0x80  }
0x158: {  	[sflag:s10] =	ssyncset.done $0x0  }
0x159: {  	[sflag:s10] =	ssyncadd.s32 $0xFFFFFF80  }
0x15a: {  	_ =	swait.ge [sflag:s10], $0x80  }
0x15b: {  	[sflag:s10] =	ssyncset.done $0x0  }
0x15c: {  	[sflag:s10] =	ssyncadd.s32 $0xFFFFFF80  }
0x15d: {  	_ =	swait.ge [sflag:s10], $0x80  }
0x15e: {  	[sflag:s10] =	ssyncset.done $0x0  }
0x15f: {  	[sflag:s10] =	ssyncadd.s32 $0xFFFFFF80  }
0x160: {  	_ =	swait.ge [sflag:s10], $0x80  }
0x161: {  	[sflag:s10] =	ssyncset.done $0x0  }
0x162: {  	[sflag:s10] =	ssyncadd.s32 $0xFFFFFF80  }
0x163: {  	_ =	swait.ge [sflag:s10], $0x80  }
0x164: {  	[sflag:s10] =	ssyncset.done $0x0  }
0x165: {  	[sflag:s10] =	ssyncadd.s32 $0xFFFFFF80  }
0x166: {  	_ =	swait.ge [sflag:s10], $0x80  }
0x167: {  	[sflag:s10] =	ssyncset.done $0x0  }
0x168: {  	[sflag:s10] =	ssyncadd.s32 $0xFFFFFF80  }
0x169: {  	_ =	swait.ge [sflag:s10], $0x80  }
0x16a: {  	[sflag:s10] =	ssyncset.done $0x0  }
0x16b: {  	[sflag:s10] =	ssyncadd.s32 $0xFFFFFF80  }
0x16c: {  	_ =	swait.ge [sflag:s10], $0x80  }
0x16d: {  	[sflag:s10] =	ssyncset.done $0x0  }
0x16e: {  	[sflag:s10] =	ssyncadd.s32 $0xFFFFFF80  }
0x16f: {  	_ =	swait.ge [sflag:s10], $0x80  }
0x170: {  	[sflag:s10] =	ssyncset.done $0x0  }
0x171: {  	[sflag:s10] =	ssyncadd.s32 $0xFFFFFF80  }
0x172: {  	_ =	swait.ge [sflag:s10], $0x80  }
0x173: {  	[sflag:s10] =	ssyncset.done $0x0  }
0x174: {  	[sflag:s10] =	ssyncadd.s32 $0xFFFFFF80  }
0x175: {  	_ =	swait.ge [sflag:s10], $0x80  }
0x176: {  	[sflag:s10] =	ssyncset.done $0x0  }
0x177: {  	[sflag:s10] =	ssyncadd.s32 $0xFFFFFF80  }
0x178: {  	_ =	swait.ge [sflag:s10], $0x80  }
0x179: {  	[sflag:s10] =	ssyncset.done $0x0  }
0x17a: {  	[sflag:s10] =	ssyncadd.s32 $0xFFFFFF80  }
0x17b: {  	_ =	swait.ge [sflag:s10], $0x80  }
0x17c: {  	[sflag:s10] =	ssyncset.done $0x0  }
0x17d: {  	[sflag:s10] =	ssyncadd.s32 $0xFFFFFF80  }
0x17e: {  	[bflag:$0x0] =	sbarrier.arrive $0xFFFF  }
0x17f: {  	s12 =	simm.s32 @p6 $0x5100;
	s23 =	rddreg [dreg:$0xb]  }
0x180: {  	[tilespmem:s12], [sflag:$0x2] =	stream.linear.gather @p6 [spmem:s23], $0x800, $0x38;
	[tilespmem:$0x6910] =	vst v63  }
0x181: {  	s12 =	simm.s32 @!p6 $0x4900;
	s23 =	rddreg [dreg:$0xc]  }
0x182: {  	[tilespmem:s12], [sflag:$0x2] =	stream.linear.gather @!p6 [spmem:s23], $0x800, $0x38;
	[tilespmem:$0x6910] =	vst v63  }
0x183: {  	_ =	swait.ge [sflag:s13], $0x800  }
0x184: {  	[sflag:s13] =	ssyncset.done $0x0  }
0x185: {  	s12 =	simm.s32 @p6 $0x5100;
	s25 =	rddreg [dreg:$0xe];
	[sflag:s13] =	ssyncadd.s32 $0xFFFFF800  }
0x186: {  	[hbm4b:s25+s6] =	stream.linear.scatter [tilespmem:s12], [sflag:$0x2], $0x800, $0x38;
	[tilespmem:$0x6910] =	vst v63  }
0x187: {  	_ =	swait.ge [sflag:s13], $0x800  }
0x188: {  	s11 =	sadd.s32 $0x1, s11;
	s29 =	rddreg [dreg:$0xd]  }
0x189: {  	p1 =	sne.s32 s11, s29  }
.Ltmp2:
0x18a: {  	_ = 	snop;
	(pc) =	sbr.rel @p1 .LBB2_1-.Ltmp2, $3  }
0x18b: {  	_ =	sdelay $0x1  }
0x18c: {  	[sflag:s13] =	ssyncset.done $0x0  }
0x18d: {  	[sflag:s13] =	ssyncadd.s32 $0xFFFFF800  }
0x18e: {  	_ =	sfence.sel $0x180000  }
0x18f: {  	[bflag:$0x0] =	sbarrier.arrive $0xFFFF  }
0x190: {  	_ =	strace $0x90000047  }
0x191: {  	s0 =	stileid.u32;
	[bflag:$0x2] =	sbarrier.arrive $0xFFFF  }
0x192: {  	p0 =	sne.s32 s0, $0x0;
	s0 =	rddreg [dreg:$0x7]  }
0x193: {  	s0 =	sadd.s32 @!p0 $0x100000, s0  }
0x194: {  	[sflag:s0] =	ssyncadd.tile.s32 @!p0 $0x1;
	_ =	shalt  }
.Lfunc_end2:
_tile_overlayer_lowered:
.L_overlay_start_2:
0x195: {  	(tag) =	ssettag $0x2  }
0x196: {  	s0 =	rddreg [dreg:$0x0];
	s2 =	stileid.u32  }
0x197: {  	s1 =	rddreg [dreg:$0x1];
	p0 =	sne.s32 s2, $0x0  }
0x198: {  	s3 =	rddreg [dreg:$0x2];
	[bflag:$0x3] =	sbarrier.arrive $0xFFFF;
	s2 =	simm.s32 @!p0 $0x1C02  }
0x199: {  	[timem:s3], [sflag:s2] =	dma.local @!p0 [hbm:s0], s1  }
0x19a: {  	s0 =	simm.s32 @!p0 $0x2  }
0x19b: {  	_ =	swait.ge @!p0 [sflag:s0], s1  }
0x19c: {  	s1 =	ssub.s32 @!p0 $0x0, s1;
	[sflag:s0] =	ssyncset.done @!p0 $0x0  }
0x19d: {  	[sflag:s0] =	ssyncadd.s32 @!p0 s1  }
0x19e: {  	[bflag:$0x3] =	sbarrier.arrive $0xFFFF  }
0x19f: {  	_ =	shalt  }

</sc_bundles>
